<compile_context>
chip_gen: v7x
topology: tpu7x:2x2x1
jax: 0.10.2.dev20260603
libtpu: 0.0.44.dev20260713+nightly
codegen_flags: <defaults>
</compile_context>

<pallas_src>
import functools

import jax
import jax.numpy as jnp
from jax import lax
from jax.experimental import pallas as pl
from jax.experimental.pallas import tpu as pltpu
from jax.experimental.pallas import tpu_sc as plsc

_D = 64
_NFS = 16
_NW = 32
_CHUNK = 128


@functools.lru_cache(maxsize=None)
def _build(B, n_rows):
    n_per_w = B // _NW
    n_groups = n_per_w // 16
    n_chunks = n_per_w // _CHUNK

    mesh = plsc.VectorSubcoreMesh(core_axis_name="c", subcore_axis_name="s")

    @functools.partial(
        pl.kernel,
        mesh=mesh,
        out_type=jax.ShapeDtypeStruct((B,), jnp.float32),
        compiler_params=pltpu.CompilerParams(
            needs_layout_passes=False, use_tc_tiling_on_sc=False),
        scratch_types=[
            pltpu.VMEM((n_per_w, _D), jnp.float32),
            pltpu.VMEM((n_per_w, _D), jnp.float32),
            pltpu.VMEM((n_per_w,), jnp.float32),
            pltpu.VMEM((n_per_w,), jnp.int32),
            pltpu.VMEM((n_per_w,), jnp.int32),
            pltpu.VMEM((n_per_w,), jnp.int32),
            [pltpu.VMEM((_CHUNK,), jnp.int32)] * 4,
            pltpu.VMEM((16, 16), jnp.float32),
            pltpu.VMEM((n_per_w,), jnp.float32),
            pltpu.SemaphoreType.DMA,
            pltpu.SemaphoreType.DMA,
            pltpu.SemaphoreType.DMA,
            pltpu.SemaphoreType.DMA,
        ],
    )
    def k(feat_hbm, stn_hbm, fct_hbm, stp_hbm, wt_hbm, bias_hbm, out_hbm,
          feat_v, w_v, bias_v, stn_v, fct_v, stp_v, idx_c, scr,
          out_v, sem_f, sem_id, sem_b, sem_w):
        wid = lax.axis_index("s") * 2 + lax.axis_index("c")
        base = wid * n_per_w

        cp_f = pltpu.async_copy(feat_hbm.at[pl.ds(base, n_per_w)], feat_v, sem_f)
        cp_s = pltpu.async_copy(stn_hbm.at[pl.ds(base, n_per_w)], stn_v, sem_id)
        cp_c = pltpu.async_copy(fct_hbm.at[pl.ds(base, n_per_w)], fct_v, sem_id)
        cp_p = pltpu.async_copy(stp_hbm.at[pl.ds(base, n_per_w)], stp_v, sem_id)
        cp_s.wait()
        cp_c.wait()
        cp_p.wait()

        for c in range(n_per_w // 16):
            o = c * 16
            st = stn_v[pl.ds(o, 16)]
            fo = fct_v[pl.ds(o, 16)]
            sp = stp_v[pl.ds(o, 16)]
            flat = st * _NFS + (fo & 1) * 8 + (sp & 7)
            kk = o // _CHUNK
            idx_c[kk][pl.ds(o - kk * _CHUNK, 16)] = flat

        gather_descs = []
        for kk in range(n_chunks):
            gather_descs.append(pltpu.async_copy(
                wt_hbm.at[idx_c[kk]],
                w_v.at[pl.ds(kk * _CHUNK, _CHUNK)], sem_w))
            gather_descs.append(pltpu.async_copy(
                bias_hbm.at[idx_c[kk]],
                bias_v.at[pl.ds(kk * _CHUNK, _CHUNK)], sem_b))
        cp_f.wait()
        for d in gather_descs:
            d.wait()

        iota16 = lax.iota(jnp.int32, 16)

        def group(g, carry):
            e0 = g * 16
            for e in range(16):
                row = e0 + e
                acc = w_v[row, pl.ds(0, 16)] * feat_v[row, pl.ds(0, 16)]
                for t in range(1, _D // 16):
                    acc = acc + (w_v[row, pl.ds(t * 16, 16)]
                                 * feat_v[row, pl.ds(t * 16, 16)])
                scr[e, pl.ds(0, 16)] = acc
            tot = bias_v[pl.ds(e0, 16)]
            for l in range(16):
                lvec = jnp.full((16,), l, jnp.int32)
                tot = tot + plsc.load_gather(scr, [iota16, lvec])
            out_v[pl.ds(e0, 16)] = tot
            return carry

        lax.fori_loop(0, n_groups, group, 0)
        pltpu.sync_copy(out_v, out_hbm.at[pl.ds(base, n_per_w)])

    return k


def kernel(features, station_id, forecast_id, step_id, weights, biases):
    B = features.shape[0]
    n_stations = weights.shape[0]
    n_rows = n_stations * _NFS
    k = _build(B, n_rows)
    return k(features,
             station_id.astype(jnp.int32),
             forecast_id.astype(jnp.int32),
             step_id.astype(jnp.int32),
             weights.reshape(n_rows, _D),
             biases.reshape(n_rows))

# --- scband reference (transcript-rebuilt; emitter-appended) ---
"""Pipeline reference for scband-yearly-emos-22952305230316 (READ-ONLY COPY).

The authoritative reference and input builder live on the scoring server;
editing this copy changes nothing except your own understanding.
"""

import jax, jax.numpy as jnp
import numpy as np

N_STATIONS = 100000
IN_FEATURES = 64
N_FORECAST_DAILY = 2
N_STEPS_DAILY = 8
BATCH = 16384


def setup_inputs(seed: int = 0) -> dict:
    key = jax.random.key(seed)
    k1, k2, k3, k4 = jax.random.split(key, 4)
    features = jax.random.normal(k1, (BATCH, IN_FEATURES), dtype=jnp.float32)
    station_id = jax.random.randint(k2, (BATCH,), 0, N_STATIONS, dtype=jnp.int64 if jax.config.jax_enable_x64 else jnp.int32)
    forecast_id = jax.random.randint(k3, (BATCH,), 0, 730, dtype=jnp.int64 if jax.config.jax_enable_x64 else jnp.int32)
    step_id = jax.random.randint(k4, (BATCH,), 0, 64, dtype=jnp.int64 if jax.config.jax_enable_x64 else jnp.int32)
    # learned parameters, matching the torch init: zeros with weights[..., 0] = 1.0
    weights = jnp.zeros((N_STATIONS, N_FORECAST_DAILY, N_STEPS_DAILY, IN_FEATURES), dtype=jnp.float32)
    weights = weights.at[..., 0].set(1.0)
    biases = jnp.zeros((N_STATIONS, N_FORECAST_DAILY, N_STEPS_DAILY, 1), dtype=jnp.float32)
    return {
        "features": features,
        "station_id": station_id,
        "forecast_id": forecast_id,
        "step_id": step_id,
        "weights": weights,
        "biases": biases,
    }


def reference(features, station_id, forecast_id, step_id, weights, biases):
    f_id = forecast_id % N_FORECAST_DAILY
    s_id = step_id % N_STEPS_DAILY
    # advanced-indexed gather: [B, in_features] and [B, 1]
    w = weights[station_id, f_id, s_id]
    b = biases[station_id, f_id, s_id]
    pred = (w * features).sum(axis=-1)
    pred = pred + jnp.squeeze(b, axis=-1)
    return pred

if __name__ == "__main__":
    import jax
    _d = setup_inputs()
    print(jax.jit(kernel)(*tuple(_d.values())))

</pallas_src>

<mosaic_0001>
#map = affine_map<(d0, d1) -> (0, 0)>
#map1 = affine_map<(d0, d1) -> (0)>
module attributes {stable_mosaic.version = 14 : i64} {
  func.func @k(%arg0: i32, %arg1: i32, %arg2: memref<16384x64xf32, #tpu.memory_space<hbm>>, %arg3: memref<16384xi32, #tpu.memory_space<hbm>>, %arg4: memref<16384xi32, #tpu.memory_space<hbm>>, %arg5: memref<16384xi32, #tpu.memory_space<hbm>>, %arg6: memref<1600000x64xf32, #tpu.memory_space<hbm>>, %arg7: memref<1600000xf32, #tpu.memory_space<hbm>>, %arg8: memref<16384xf32, #tpu.memory_space<hbm>>, %arg9: memref<512x64xf32, #tpu.memory_space<vmem>>, %arg10: memref<512x64xf32, #tpu.memory_space<vmem>>, %arg11: memref<512xf32, #tpu.memory_space<vmem>>, %arg12: memref<512xi32, #tpu.memory_space<vmem>>, %arg13: memref<512xi32, #tpu.memory_space<vmem>>, %arg14: memref<512xi32, #tpu.memory_space<vmem>>, %arg15: memref<128xi32, #tpu.memory_space<vmem>>, %arg16: memref<128xi32, #tpu.memory_space<vmem>>, %arg17: memref<128xi32, #tpu.memory_space<vmem>>, %arg18: memref<128xi32, #tpu.memory_space<vmem>>, %arg19: memref<16x16xf32, #tpu.memory_space<vmem>>, %arg20: memref<512xf32, #tpu.memory_space<vmem>>, %arg21: memref<!tpu.dma_semaphore, #tpu.memory_space<semaphore_mem>>, %arg22: memref<!tpu.dma_semaphore, #tpu.memory_space<semaphore_mem>>, %arg23: memref<!tpu.dma_semaphore, #tpu.memory_space<semaphore_mem>>, %arg24: memref<!tpu.dma_semaphore, #tpu.memory_space<semaphore_mem>>) attributes {dimension_semantics = [#tpu.dimension_semantics<core_parallel>, #tpu.dimension_semantics<subcore_parallel>], iteration_bounds = array<i64: 2, 16>, scalar_prefetch = 0 : i64, scratch_operands = 16 : i64, tpu.core_type = #tpu.core_type<sc_vector_subcore>, window_params = [{transform_indices = #map}, {transform_indices = #map1}, {transform_indices = #map1}, {transform_indices = #map1}, {transform_indices = #map}, {transform_indices = #map1}, {transform_indices = #map1}]} {
    %mul3A = arith.constant 2 : i32
    %mul3A_0 = arith.muli %arg1, %mul3A : i32
    %add3A = arith.addi %mul3A_0, %arg0 : i32
    %mul3A_1 = arith.constant 512 : i32
    %mul3A_2 = arith.muli %add3A, %mul3A_1 : i32
    %dma_start3A = arith.constant 0 : i32
    %dma_start3A_3 = tpu.memref_slice %arg2[%mul3A_2, %dma_start3A] : memref<16384x64xf32, #tpu.memory_space<hbm>> -> memref<512x64xf32, #tpu.memory_space<hbm>>
    %dma_start3A_4 = arith.constant 0 : i32
    %dma_start3A_5 = tpu.memref_slice %arg2[%mul3A_2, %dma_start3A_4] : memref<16384x64xf32, #tpu.memory_space<hbm>> -> memref<512x64xf32, #tpu.memory_space<hbm>>
    tpu.enqueue_dma source(%dma_start3A_5 : memref<512x64xf32, #tpu.memory_space<hbm>>) target(%arg9 : memref<512x64xf32, #tpu.memory_space<vmem>>) target_semaphore(%arg21 : memref<!tpu.dma_semaphore, #tpu.memory_space<semaphore_mem>>)
    %dma_start3A_6 = tpu.memref_slice %arg3[%mul3A_2] : memref<16384xi32, #tpu.memory_space<hbm>> -> memref<512xi32, #tpu.memory_space<hbm>>
    %dma_start3A_7 = tpu.memref_slice %arg3[%mul3A_2] : memref<16384xi32, #tpu.memory_space<hbm>> -> memref<512xi32, #tpu.memory_space<hbm>>
    tpu.enqueue_dma source(%dma_start3A_7 : memref<512xi32, #tpu.memory_space<hbm>>) target(%arg12 : memref<512xi32, #tpu.memory_space<vmem>>) target_semaphore(%arg22 : memref<!tpu.dma_semaphore, #tpu.memory_space<semaphore_mem>>)
    %dma_start3A_8 = tpu.memref_slice %arg4[%mul3A_2] : memref<16384xi32, #tpu.memory_space<hbm>> -> memref<512xi32, #tpu.memory_space<hbm>>
    %dma_start3A_9 = tpu.memref_slice %arg4[%mul3A_2] : memref<16384xi32, #tpu.memory_space<hbm>> -> memref<512xi32, #tpu.memory_space<hbm>>
    tpu.enqueue_dma source(%dma_start3A_9 : memref<512xi32, #tpu.memory_space<hbm>>) target(%arg13 : memref<512xi32, #tpu.memory_space<vmem>>) target_semaphore(%arg22 : memref<!tpu.dma_semaphore, #tpu.memory_space<semaphore_mem>>)
    %dma_start3A_10 = tpu.memref_slice %arg5[%mul3A_2] : memref<16384xi32, #tpu.memory_space<hbm>> -> memref<512xi32, #tpu.memory_space<hbm>>
    %dma_start3A_11 = tpu.memref_slice %arg5[%mul3A_2] : memref<16384xi32, #tpu.memory_space<hbm>> -> memref<512xi32, #tpu.memory_space<hbm>>
    tpu.enqueue_dma source(%dma_start3A_11 : memref<512xi32, #tpu.memory_space<hbm>>) target(%arg14 : memref<512xi32, #tpu.memory_space<vmem>>) target_semaphore(%arg22 : memref<!tpu.dma_semaphore, #tpu.memory_space<semaphore_mem>>)
    %dma_wait3A = tpu.memref_slice %arg3[%mul3A_2] : memref<16384xi32, #tpu.memory_space<hbm>> -> memref<512xi32, #tpu.memory_space<hbm>>
    %dma_wait3A_12 = tpu.memref_slice %arg3[%mul3A_2] : memref<16384xi32, #tpu.memory_space<hbm>> -> memref<512xi32, #tpu.memory_space<hbm>>
    tpu.wait_dma2 semaphore(%arg22 : memref<!tpu.dma_semaphore, #tpu.memory_space<semaphore_mem>>) src(%dma_wait3A_12 : memref<512xi32, #tpu.memory_space<hbm>>) dst(%arg12 : memref<512xi32, #tpu.memory_space<vmem>>)
    %dma_wait3A_13 = tpu.memref_slice %arg4[%mul3A_2] : memref<16384xi32, #tpu.memory_space<hbm>> -> memref<512xi32, #tpu.memory_space<hbm>>
    %dma_wait3A_14 = tpu.memref_slice %arg4[%mul3A_2] : memref<16384xi32, #tpu.memory_space<hbm>> -> memref<512xi32, #tpu.memory_space<hbm>>
    tpu.wait_dma2 semaphore(%arg22 : memref<!tpu.dma_semaphore, #tpu.memory_space<semaphore_mem>>) src(%dma_wait3A_14 : memref<512xi32, #tpu.memory_space<hbm>>) dst(%arg13 : memref<512xi32, #tpu.memory_space<vmem>>)
    %dma_wait3A_15 = tpu.memref_slice %arg5[%mul3A_2] : memref<16384xi32, #tpu.memory_space<hbm>> -> memref<512xi32, #tpu.memory_space<hbm>>
    %dma_wait3A_16 = tpu.memref_slice %arg5[%mul3A_2] : memref<16384xi32, #tpu.memory_space<hbm>> -> memref<512xi32, #tpu.memory_space<hbm>>
    tpu.wait_dma2 semaphore(%arg22 : memref<!tpu.dma_semaphore, #tpu.memory_space<semaphore_mem>>) src(%dma_wait3A_16 : memref<512xi32, #tpu.memory_space<hbm>>) dst(%arg14 : memref<512xi32, #tpu.memory_space<vmem>>)
    %get3A = arith.constant 0 : index
    %get3A_17 = tpu.vector_load %arg12[%get3A] {strides = array<i32>} : memref<512xi32, #tpu.memory_space<vmem>>, vector<16xi32>,
    %get3A_18 = arith.constant 0 : index
    %get3A_19 = tpu.vector_load %arg13[%get3A_18] {strides = array<i32>} : memref<512xi32, #tpu.memory_space<vmem>>, vector<16xi32>,
    %get3A_20 = arith.constant 0 : index
    %get3A_21 = tpu.vector_load %arg14[%get3A_20] {strides = array<i32>} : memref<512xi32, #tpu.memory_space<vmem>>, vector<16xi32>,
    %mul3A_22 = arith.constant 16 : i32
    %mul3A_23 = vector.broadcast %mul3A_22 : i32 to vector<16xi32>
    %mul3A_24 = arith.muli %get3A_17, %mul3A_23 : vector<16xi32>
    %and3A = arith.constant 1 : i32
    %and3A_25 = vector.broadcast %and3A : i32 to vector<16xi32>
    %and3A_26 = arith.andi %get3A_19, %and3A_25 : vector<16xi32>
    %mul3A_27 = arith.constant 8 : i32
    %mul3A_28 = vector.broadcast %mul3A_27 : i32 to vector<16xi32>
    %mul3A_29 = arith.muli %and3A_26, %mul3A_28 : vector<16xi32>
    %add3A_30 = arith.addi %mul3A_24, %mul3A_29 : vector<16xi32>
    %and3A_31 = arith.constant 7 : i32
    %and3A_32 = vector.broadcast %and3A_31 : i32 to vector<16xi32>
    %and3A_33 = arith.andi %get3A_21, %and3A_32 : vector<16xi32>
    %add3A_34 = arith.addi %add3A_30, %and3A_33 : vector<16xi32>
    %swap3A = arith.constant 0 : index
    %swap3A_35 = tpu.vector_load %arg15[%swap3A] {strides = array<i32>} : memref<128xi32, #tpu.memory_space<vmem>>, vector<16xi32>,
    tpu.vector_store %arg15[%swap3A], %add3A_34 {strides = array<i32>} : memref<128xi32, #tpu.memory_space<vmem>>, vector<16xi32>,
    %get3A_36 = arith.constant 16 : index
    %get3A_37 = tpu.vector_load %arg12[%get3A_36] {strides = array<i32>} : memref<512xi32, #tpu.memory_space<vmem>>, vector<16xi32>,
    %get3A_38 = arith.constant 16 : index
    %get3A_39 = tpu.vector_load %arg13[%get3A_38] {strides = array<i32>} : memref<512xi32, #tpu.memory_space<vmem>>, vector<16xi32>,
    %get3A_40 = arith.constant 16 : index
    %get3A_41 = tpu.vector_load %arg14[%get3A_40] {strides = array<i32>} : memref<512xi32, #tpu.memory_space<vmem>>, vector<16xi32>,
    %mul3A_42 = arith.constant 16 : i32
    %mul3A_43 = vector.broadcast %mul3A_42 : i32 to vector<16xi32>
    %mul3A_44 = arith.muli %get3A_37, %mul3A_43 : vector<16xi32>
    %and3A_45 = arith.constant 1 : i32
    %and3A_46 = vector.broadcast %and3A_45 : i32 to vector<16xi32>
    %and3A_47 = arith.andi %get3A_39, %and3A_46 : vector<16xi32>
    %mul3A_48 = arith.constant 8 : i32
    %mul3A_49 = vector.broadcast %mul3A_48 : i32 to vector<16xi32>
    %mul3A_50 = arith.muli %and3A_47, %mul3A_49 : vector<16xi32>
    %add3A_51 = arith.addi %mul3A_44, %mul3A_50 : vector<16xi32>
    %and3A_52 = arith.constant 7 : i32
    %and3A_53 = vector.broadcast %and3A_52 : i32 to vector<16xi32>
    %and3A_54 = arith.andi %get3A_41, %and3A_53 : vector<16xi32>
    %add3A_55 = arith.addi %add3A_51, %and3A_54 : vector<16xi32>
    %swap3A_56 = arith.constant 16 : index
    %swap3A_57 = tpu.vector_load %arg15[%swap3A_56] {strides = array<i32>} : memref<128xi32, #tpu.memory_space<vmem>>, vector<16xi32>,
    tpu.vector_store %arg15[%swap3A_56], %add3A_55 {strides = array<i32>} : memref<128xi32, #tpu.memory_space<vmem>>, vector<16xi32>,
    %get3A_58 = arith.constant 32 : index
    %get3A_59 = tpu.vector_load %arg12[%get3A_58] {strides = array<i32>} : memref<512xi32, #tpu.memory_space<vmem>>, vector<16xi32>,
    %get3A_60 = arith.constant 32 : index
    %get3A_61 = tpu.vector_load %arg13[%get3A_60] {strides = array<i32>} : memref<512xi32, #tpu.memory_space<vmem>>, vector<16xi32>,
    %get3A_62 = arith.constant 32 : index
    %get3A_63 = tpu.vector_load %arg14[%get3A_62] {strides = array<i32>} : memref<512xi32, #tpu.memory_space<vmem>>, vector<16xi32>,
    %mul3A_64 = arith.constant 16 : i32
    %mul3A_65 = vector.broadcast %mul3A_64 : i32 to vector<16xi32>
    %mul3A_66 = arith.muli %get3A_59, %mul3A_65 : vector<16xi32>
    %and3A_67 = arith.constant 1 : i32
    %and3A_68 = vector.broadcast %and3A_67 : i32 to vector<16xi32>
    %and3A_69 = arith.andi %get3A_61, %and3A_68 : vector<16xi32>
    %mul3A_70 = arith.constant 8 : i32
    %mul3A_71 = vector.broadcast %mul3A_70 : i32 to vector<16xi32>
    %mul3A_72 = arith.muli %and3A_69, %mul3A_71 : vector<16xi32>
    %add3A_73 = arith.addi %mul3A_66, %mul3A_72 : vector<16xi32>
    %and3A_74 = arith.constant 7 : i32
    %and3A_75 = vector.broadcast %and3A_74 : i32 to vector<16xi32>
    %and3A_76 = arith.andi %get3A_63, %and3A_75 : vector<16xi32>
    %add3A_77 = arith.addi %add3A_73, %and3A_76 : vector<16xi32>
    %swap3A_78 = arith.constant 32 : index
    %swap3A_79 = tpu.vector_load %arg15[%swap3A_78] {strides = array<i32>} : memref<128xi32, #tpu.memory_space<vmem>>, vector<16xi32>,
    tpu.vector_store %arg15[%swap3A_78], %add3A_77 {strides = array<i32>} : memref<128xi32, #tpu.memory_space<vmem>>, vector<16xi32>,
    %get3A_80 = arith.constant 48 : index
    %get3A_81 = tpu.vector_load %arg12[%get3A_80] {strides = array<i32>} : memref<512xi32, #tpu.memory_space<vmem>>, vector<16xi32>,
    %get3A_82 = arith.constant 48 : index
    %get3A_83 = tpu.vector_load %arg13[%get3A_82] {strides = array<i32>} : memref<512xi32, #tpu.memory_space<vmem>>, vector<16xi32>,
    %get3A_84 = arith.constant 48 : index
    %get3A_85 = tpu.vector_load %arg14[%get3A_84] {strides = array<i32>} : memref<512xi32, #tpu.memory_space<vmem>>, vector<16xi32>,
    %mul3A_86 = arith.constant 16 : i32
    %mul3A_87 = vector.broadcast %mul3A_86 : i32 to vector<16xi32>
    %mul3A_88 = arith.muli %get3A_81, %mul3A_87 : vector<16xi32>
    %and3A_89 = arith.constant 1 : i32
    %and3A_90 = vector.broadcast %and3A_89 : i32 to vector<16xi32>
    %and3A_91 = arith.andi %get3A_83, %and3A_90 : vector<16xi32>
    %mul3A_92 = arith.constant 8 : i32
    %mul3A_93 = vector.broadcast %mul3A_92 : i32 to vector<16xi32>
    %mul3A_94 = arith.muli %and3A_91, %mul3A_93 : vector<16xi32>
    %add3A_95 = arith.addi %mul3A_88, %mul3A_94 : vector<16xi32>
    %and3A_96 = arith.constant 7 : i32
    %and3A_97 = vector.broadcast %and3A_96 : i32 to vector<16xi32>
    %and3A_98 = arith.andi %get3A_85, %and3A_97 : vector<16xi32>
    %add3A_99 = arith.addi %add3A_95, %and3A_98 : vector<16xi32>
    %swap3A_100 = arith.constant 48 : index
    %swap3A_101 = tpu.vector_load %arg15[%swap3A_100] {strides = array<i32>} : memref<128xi32, #tpu.memory_space<vmem>>, vector<16xi32>,
    tpu.vector_store %arg15[%swap3A_100], %add3A_99 {strides = array<i32>} : memref<128xi32, #tpu.memory_space<vmem>>, vector<16xi32>,
    %get3A_102 = arith.constant 64 : index
    %get3A_103 = tpu.vector_load %arg12[%get3A_102] {strides = array<i32>} : memref<512xi32, #tpu.memory_space<vmem>>, vector<16xi32>,
    %get3A_104 = arith.constant 64 : index
    %get3A_105 = tpu.vector_load %arg13[%get3A_104] {strides = array<i32>} : memref<512xi32, #tpu.memory_space<vmem>>, vector<16xi32>,
    %get3A_106 = arith.constant 64 : index
    %get3A_107 = tpu.vector_load %arg14[%get3A_106] {strides = array<i32>} : memref<512xi32, #tpu.memory_space<vmem>>, vector<16xi32>,
    %mul3A_108 = arith.constant 16 : i32
    %mul3A_109 = vector.broadcast %mul3A_108 : i32 to vector<16xi32>
    %mul3A_110 = arith.muli %get3A_103, %mul3A_109 : vector<16xi32>
    %and3A_111 = arith.constant 1 : i32
    %and3A_112 = vector.broadcast %and3A_111 : i32 to vector<16xi32>
    %and3A_113 = arith.andi %get3A_105, %and3A_112 : vector<16xi32>
    %mul3A_114 = arith.constant 8 : i32
    %mul3A_115 = vector.broadcast %mul3A_114 : i32 to vector<16xi32>
    %mul3A_116 = arith.muli %and3A_113, %mul3A_115 : vector<16xi32>
    %add3A_117 = arith.addi %mul3A_110, %mul3A_116 : vector<16xi32>
    %and3A_118 = arith.constant 7 : i32
    %and3A_119 = vector.broadcast %and3A_118 : i32 to vector<16xi32>
    %and3A_120 = arith.andi %get3A_107, %and3A_119 : vector<16xi32>
    %add3A_121 = arith.addi %add3A_117, %and3A_120 : vector<16xi32>
    %swap3A_122 = arith.constant 64 : index
    %swap3A_123 = tpu.vector_load %arg15[%swap3A_122] {strides = array<i32>} : memref<128xi32, #tpu.memory_space<vmem>>, vector<16xi32>,
    tpu.vector_store %arg15[%swap3A_122], %add3A_121 {strides = array<i32>} : memref<128xi32, #tpu.memory_space<vmem>>, vector<16xi32>,
    %get3A_124 = arith.constant 80 : index
    %get3A_125 = tpu.vector_load %arg12[%get3A_124] {strides = array<i32>} : memref<512xi32, #tpu.memory_space<vmem>>, vector<16xi32>,
    %get3A_126 = arith.constant 80 : index
    %get3A_127 = tpu.vector_load %arg13[%get3A_126] {strides = array<i32>} : memref<512xi32, #tpu.memory_space<vmem>>, vector<16xi32>,
    %get3A_128 = arith.constant 80 : index
    %get3A_129 = tpu.vector_load %arg14[%get3A_128] {strides = array<i32>} : memref<512xi32, #tpu.memory_space<vmem>>, vector<16xi32>,
    %mul3A_130 = arith.constant 16 : i32
    %mul3A_131 = vector.broadcast %mul3A_130 : i32 to vector<16xi32>
    %mul3A_132 = arith.muli %get3A_125, %mul3A_131 : vector<16xi32>
    %and3A_133 = arith.constant 1 : i32
    %and3A_134 = vector.broadcast %and3A_133 : i32 to vector<16xi32>
    %and3A_135 = arith.andi %get3A_127, %and3A_134 : vector<16xi32>
    %mul3A_136 = arith.constant 8 : i32
    %mul3A_137 = vector.broadcast %mul3A_136 : i32 to vector<16xi32>
    %mul3A_138 = arith.muli %and3A_135, %mul3A_137 : vector<16xi32>
    %add3A_139 = arith.addi %mul3A_132, %mul3A_138 : vector<16xi32>
    %and3A_140 = arith.constant 7 : i32
    %and3A_141 = vector.broadcast %and3A_140 : i32 to vector<16xi32>
    %and3A_142 = arith.andi %get3A_129, %and3A_141 : vector<16xi32>
    %add3A_143 = arith.addi %add3A_139, %and3A_142 : vector<16xi32>
    %swap3A_144 = arith.constant 80 : index
    %swap3A_145 = tpu.vector_load %arg15[%swap3A_144] {strides = array<i32>} : memref<128xi32, #tpu.memory_space<vmem>>, vector<16xi32>,
    tpu.vector_store %arg15[%swap3A_144], %add3A_143 {strides = array<i32>} : memref<128xi32, #tpu.memory_space<vmem>>, vector<16xi32>,
    %get3A_146 = arith.constant 96 : index
    %get3A_147 = tpu.vector_load %arg12[%get3A_146] {strides = array<i32>} : memref<512xi32, #tpu.memory_space<vmem>>, vector<16xi32>,
    %get3A_148 = arith.constant 96 : index
    %get3A_149 = tpu.vector_load %arg13[%get3A_148] {strides = array<i32>} : memref<512xi32, #tpu.memory_space<vmem>>, vector<16xi32>,
    %get3A_150 = arith.constant 96 : index
    %get3A_151 = tpu.vector_load %arg14[%get3A_150] {strides = array<i32>} : memref<512xi32, #tpu.memory_space<vmem>>, vector<16xi32>,
    %mul3A_152 = arith.constant 16 : i32
    %mul3A_153 = vector.broadcast %mul3A_152 : i32 to vector<16xi32>
    %mul3A_154 = arith.muli %get3A_147, %mul3A_153 : vector<16xi32>
    %and3A_155 = arith.constant 1 : i32
    %and3A_156 = vector.broadcast %and3A_155 : i32 to vector<16xi32>
    %and3A_157 = arith.andi %get3A_149, %and3A_156 : vector<16xi32>
    %mul3A_158 = arith.constant 8 : i32
    %mul3A_159 = vector.broadcast %mul3A_158 : i32 to vector<16xi32>
    %mul3A_160 = arith.muli %and3A_157, %mul3A_159 : vector<16xi32>
    %add3A_161 = arith.addi %mul3A_154, %mul3A_160 : vector<16xi32>
    %and3A_162 = arith.constant 7 : i32
    %and3A_163 = vector.broadcast %and3A_162 : i32 to vector<16xi32>
    %and3A_164 = arith.andi %get3A_151, %and3A_163 : vector<16xi32>
    %add3A_165 = arith.addi %add3A_161, %and3A_164 : vector<16xi32>
    %swap3A_166 = arith.constant 96 : index
    %swap3A_167 = tpu.vector_load %arg15[%swap3A_166] {strides = array<i32>} : memref<128xi32, #tpu.memory_space<vmem>>, vector<16xi32>,
    tpu.vector_store %arg15[%swap3A_166], %add3A_165 {strides = array<i32>} : memref<128xi32, #tpu.memory_space<vmem>>, vector<16xi32>,
    %get3A_168 = arith.constant 112 : index
    %get3A_169 = tpu.vector_load %arg12[%get3A_168] {strides = array<i32>} : memref<512xi32, #tpu.memory_space<vmem>>, vector<16xi32>,
    %get3A_170 = arith.constant 112 : index
    %get3A_171 = tpu.vector_load %arg13[%get3A_170] {strides = array<i32>} : memref<512xi32, #tpu.memory_space<vmem>>, vector<16xi32>,
    %get3A_172 = arith.constant 112 : index
    %get3A_173 = tpu.vector_load %arg14[%get3A_172] {strides = array<i32>} : memref<512xi32, #tpu.memory_space<vmem>>, vector<16xi32>,
    %mul3A_174 = arith.constant 16 : i32
    %mul3A_175 = vector.broadcast %mul3A_174 : i32 to vector<16xi32>
    %mul3A_176 = arith.muli %get3A_169, %mul3A_175 : vector<16xi32>
    %and3A_177 = arith.constant 1 : i32
    %and3A_178 = vector.broadcast %and3A_177 : i32 to vector<16xi32>
    %and3A_179 = arith.andi %get3A_171, %and3A_178 : vector<16xi32>
    %mul3A_180 = arith.constant 8 : i32
    %mul3A_181 = vector.broadcast %mul3A_180 : i32 to vector<16xi32>
    %mul3A_182 = arith.muli %and3A_179, %mul3A_181 : vector<16xi32>
    %add3A_183 = arith.addi %mul3A_176, %mul3A_182 : vector<16xi32>
    %and3A_184 = arith.constant 7 : i32
    %and3A_185 = vector.broadcast %and3A_184 : i32 to vector<16xi32>
    %and3A_186 = arith.andi %get3A_173, %and3A_185 : vector<16xi32>
    %add3A_187 = arith.addi %add3A_183, %and3A_186 : vector<16xi32>
    %swap3A_188 = arith.constant 112 : index
    %swap3A_189 = tpu.vector_load %arg15[%swap3A_188] {strides = array<i32>} : memref<128xi32, #tpu.memory_space<vmem>>, vector<16xi32>,
    tpu.vector_store %arg15[%swap3A_188], %add3A_187 {strides = array<i32>} : memref<128xi32, #tpu.memory_space<vmem>>, vector<16xi32>,
    %get3A_190 = arith.constant 128 : index
    %get3A_191 = tpu.vector_load %arg12[%get3A_190] {strides = array<i32>} : memref<512xi32, #tpu.memory_space<vmem>>, vector<16xi32>,
    %get3A_192 = arith.constant 128 : index
    %get3A_193 = tpu.vector_load %arg13[%get3A_192] {strides = array<i32>} : memref<512xi32, #tpu.memory_space<vmem>>, vector<16xi32>,
    %get3A_194 = arith.constant 128 : index
    %get3A_195 = tpu.vector_load %arg14[%get3A_194] {strides = array<i32>} : memref<512xi32, #tpu.memory_space<vmem>>, vector<16xi32>,
    %mul3A_196 = arith.constant 16 : i32
    %mul3A_197 = vector.broadcast %mul3A_196 : i32 to vector<16xi32>
    %mul3A_198 = arith.muli %get3A_191, %mul3A_197 : vector<16xi32>
    %and3A_199 = arith.constant 1 : i32
    %and3A_200 = vector.broadcast %and3A_199 : i32 to vector<16xi32>
    %and3A_201 = arith.andi %get3A_193, %and3A_200 : vector<16xi32>
    %mul3A_202 = arith.constant 8 : i32
    %mul3A_203 = vector.broadcast %mul3A_202 : i32 to vector<16xi32>
    %mul3A_204 = arith.muli %and3A_201, %mul3A_203 : vector<16xi32>
    %add3A_205 = arith.addi %mul3A_198, %mul3A_204 : vector<16xi32>
    %and3A_206 = arith.constant 7 : i32
    %and3A_207 = vector.broadcast %and3A_206 : i32 to vector<16xi32>
    %and3A_208 = arith.andi %get3A_195, %and3A_207 : vector<16xi32>
    %add3A_209 = arith.addi %add3A_205, %and3A_208 : vector<16xi32>
    %swap3A_210 = arith.constant 0 : index
    %swap3A_211 = tpu.vector_load %arg16[%swap3A_210] {strides = array<i32>} : memref<128xi32, #tpu.memory_space<vmem>>, vector<16xi32>,
    tpu.vector_store %arg16[%swap3A_210], %add3A_209 {strides = array<i32>} : memref<128xi32, #tpu.memory_space<vmem>>, vector<16xi32>,
    %get3A_212 = arith.constant 144 : index
    %get3A_213 = tpu.vector_load %arg12[%get3A_212] {strides = array<i32>} : memref<512xi32, #tpu.memory_space<vmem>>, vector<16xi32>,
    %get3A_214 = arith.constant 144 : index
    %get3A_215 = tpu.vector_load %arg13[%get3A_214] {strides = array<i32>} : memref<512xi32, #tpu.memory_space<vmem>>, vector<16xi32>,
    %get3A_216 = arith.constant 144 : index
    %get3A_217 = tpu.vector_load %arg14[%get3A_216] {strides = array<i32>} : memref<512xi32, #tpu.memory_space<vmem>>, vector<16xi32>,
    %mul3A_218 = arith.constant 16 : i32
    %mul3A_219 = vector.broadcast %mul3A_218 : i32 to vector<16xi32>
    %mul3A_220 = arith.muli %get3A_213, %mul3A_219 : vector<16xi32>
    %and3A_221 = arith.constant 1 : i32
    %and3A_222 = vector.broadcast %and3A_221 : i32 to vector<16xi32>
    %and3A_223 = arith.andi %get3A_215, %and3A_222 : vector<16xi32>
    %mul3A_224 = arith.constant 8 : i32
    %mul3A_225 = vector.broadcast %mul3A_224 : i32 to vector<16xi32>
    %mul3A_226 = arith.muli %and3A_223, %mul3A_225 : vector<16xi32>
    %add3A_227 = arith.addi %mul3A_220, %mul3A_226 : vector<16xi32>
    %and3A_228 = arith.constant 7 : i32
    %and3A_229 = vector.broadcast %and3A_228 : i32 to vector<16xi32>
    %and3A_230 = arith.andi %get3A_217, %and3A_229 : vector<16xi32>
    %add3A_231 = arith.addi %add3A_227, %and3A_230 : vector<16xi32>
    %swap3A_232 = arith.constant 16 : index
    %swap3A_233 = tpu.vector_load %arg16[%swap3A_232] {strides = array<i32>} : memref<128xi32, #tpu.memory_space<vmem>>, vector<16xi32>,
    tpu.vector_store %arg16[%swap3A_232], %add3A_231 {strides = array<i32>} : memref<128xi32, #tpu.memory_space<vmem>>, vector<16xi32>,
    %get3A_234 = arith.constant 160 : index
    %get3A_235 = tpu.vector_load %arg12[%get3A_234] {strides = array<i32>} : memref<512xi32, #tpu.memory_space<vmem>>, vector<16xi32>,
    %get3A_236 = arith.constant 160 : index
    %get3A_237 = tpu.vector_load %arg13[%get3A_236] {strides = array<i32>} : memref<512xi32, #tpu.memory_space<vmem>>, vector<16xi32>,
    %get3A_238 = arith.constant 160 : index
    %get3A_239 = tpu.vector_load %arg14[%get3A_238] {strides = array<i32>} : memref<512xi32, #tpu.memory_space<vmem>>, vector<16xi32>,
    %mul3A_240 = arith.constant 16 : i32
    %mul3A_241 = vector.broadcast %mul3A_240 : i32 to vector<16xi32>
    %mul3A_242 = arith.muli %get3A_235, %mul3A_241 : vector<16xi32>
    %and3A_243 = arith.constant 1 : i32
    %and3A_244 = vector.broadcast %and3A_243 : i32 to vector<16xi32>
    %and3A_245 = arith.andi %get3A_237, %and3A_244 : vector<16xi32>
    %mul3A_246 = arith.constant 8 : i32
    %mul3A_247 = vector.broadcast %mul3A_246 : i32 to vector<16xi32>
    %mul3A_248 = arith.muli %and3A_245, %mul3A_247 : vector<16xi32>
    %add3A_249 = arith.addi %mul3A_242, %mul3A_248 : vector<16xi32>
    %and3A_250 = arith.constant 7 : i32
    %and3A_251 = vector.broadcast %and3A_250 : i32 to vector<16xi32>
    %and3A_252 = arith.andi %get3A_239, %and3A_251 : vector<16xi32>
    %add3A_253 = arith.addi %add3A_249, %and3A_252 : vector<16xi32>
    %swap3A_254 = arith.constant 32 : index
    %swap3A_255 = tpu.vector_load %arg16[%swap3A_254] {strides = array<i32>} : memref<128xi32, #tpu.memory_space<vmem>>, vector<16xi32>,
    tpu.vector_store %arg16[%swap3A_254], %add3A_253 {strides = array<i32>} : memref<128xi32, #tpu.memory_space<vmem>>, vector<16xi32>,
    %get3A_256 = arith.constant 176 : index
    %get3A_257 = tpu.vector_load %arg12[%get3A_256] {strides = array<i32>} : memref<512xi32, #tpu.memory_space<vmem>>, vector<16xi32>,
    %get3A_258 = arith.constant 176 : index
    %get3A_259 = tpu.vector_load %arg13[%get3A_258] {strides = array<i32>} : memref<512xi32, #tpu.memory_space<vmem>>, vector<16xi32>,
    %get3A_260 = arith.constant 176 : index
    %get3A_261 = tpu.vector_load %arg14[%get3A_260] {strides = array<i32>} : memref<512xi32, #tpu.memory_space<vmem>>, vector<16xi32>,
    %mul3A_262 = arith.constant 16 : i32
    %mul3A_263 = vector.broadcast %mul3A_262 : i32 to vector<16xi32>
    %mul3A_264 = arith.muli %get3A_257, %mul3A_263 : vector<16xi32>
    %and3A_265 = arith.constant 1 : i32
    %and3A_266 = vector.broadcast %and3A_265 : i32 to vector<16xi32>
    %and3A_267 = arith.andi %get3A_259, %and3A_266 : vector<16xi32>
    %mul3A_268 = arith.constant 8 : i32
    %mul3A_269 = vector.broadcast %mul3A_268 : i32 to vector<16xi32>
    %mul3A_270 = arith.muli %and3A_267, %mul3A_269 : vector<16xi32>
    %add3A_271 = arith.addi %mul3A_264, %mul3A_270 : vector<16xi32>
    %and3A_272 = arith.constant 7 : i32
    %and3A_273 = vector.broadcast %and3A_272 : i32 to vector<16xi32>
    %and3A_274 = arith.andi %get3A_261, %and3A_273 : vector<16xi32>
    %add3A_275 = arith.addi %add3A_271, %and3A_274 : vector<16xi32>
    %swap3A_276 = arith.constant 48 : index
    %swap3A_277 = tpu.vector_load %arg16[%swap3A_276] {strides = array<i32>} : memref<128xi32, #tpu.memory_space<vmem>>, vector<16xi32>,
    tpu.vector_store %arg16[%swap3A_276], %add3A_275 {strides = array<i32>} : memref<128xi32, #tpu.memory_space<vmem>>, vector<16xi32>,
    %get3A_278 = arith.constant 192 : index
    %get3A_279 = tpu.vector_load %arg12[%get3A_278] {strides = array<i32>} : memref<512xi32, #tpu.memory_space<vmem>>, vector<16xi32>,
    %get3A_280 = arith.constant 192 : index
    %get3A_281 = tpu.vector_load %arg13[%get3A_280] {strides = array<i32>} : memref<512xi32, #tpu.memory_space<vmem>>, vector<16xi32>,
    %get3A_282 = arith.constant 192 : index
    %get3A_283 = tpu.vector_load %arg14[%get3A_282] {strides = array<i32>} : memref<512xi32, #tpu.memory_space<vmem>>, vector<16xi32>,
    %mul3A_284 = arith.constant 16 : i32
    %mul3A_285 = vector.broadcast %mul3A_284 : i32 to vector<16xi32>
    %mul3A_286 = arith.muli %get3A_279, %mul3A_285 : vector<16xi32>
    %and3A_287 = arith.constant 1 : i32
    %and3A_288 = vector.broadcast %and3A_287 : i32 to vector<16xi32>
    %and3A_289 = arith.andi %get3A_281, %and3A_288 : vector<16xi32>
    %mul3A_290 = arith.constant 8 : i32
    %mul3A_291 = vector.broadcast %mul3A_290 : i32 to vector<16xi32>
    %mul3A_292 = arith.muli %and3A_289, %mul3A_291 : vector<16xi32>
    %add3A_293 = arith.addi %mul3A_286, %mul3A_292 : vector<16xi32>
    %and3A_294 = arith.constant 7 : i32
    %and3A_295 = vector.broadcast %and3A_294 : i32 to vector<16xi32>
    %and3A_296 = arith.andi %get3A_283, %and3A_295 : vector<16xi32>
    %add3A_297 = arith.addi %add3A_293, %and3A_296 : vector<16xi32>
    %swap3A_298 = arith.constant 64 : index
    %swap3A_299 = tpu.vector_load %arg16[%swap3A_298] {strides = array<i32>} : memref<128xi32, #tpu.memory_space<vmem>>, vector<16xi32>,
    tpu.vector_store %arg16[%swap3A_298], %add3A_297 {strides = array<i32>} : memref<128xi32, #tpu.memory_space<vmem>>, vector<16xi32>,
    %get3A_300 = arith.constant 208 : index
    %get3A_301 = tpu.vector_load %arg12[%get3A_300] {strides = array<i32>} : memref<512xi32, #tpu.memory_space<vmem>>, vector<16xi32>,
    %get3A_302 = arith.constant 208 : index
    %get3A_303 = tpu.vector_load %arg13[%get3A_302] {strides = array<i32>} : memref<512xi32, #tpu.memory_space<vmem>>, vector<16xi32>,
    %get3A_304 = arith.constant 208 : index
    %get3A_305 = tpu.vector_load %arg14[%get3A_304] {strides = array<i32>} : memref<512xi32, #tpu.memory_space<vmem>>, vector<16xi32>,
    %mul3A_306 = arith.constant 16 : i32
    %mul3A_307 = vector.broadcast %mul3A_306 : i32 to vector<16xi32>
    %mul3A_308 = arith.muli %get3A_301, %mul3A_307 : vector<16xi32>
    %and3A_309 = arith.constant 1 : i32
    %and3A_310 = vector.broadcast %and3A_309 : i32 to vector<16xi32>
    %and3A_311 = arith.andi %get3A_303, %and3A_310 : vector<16xi32>
    %mul3A_312 = arith.constant 8 : i32
    %mul3A_313 = vector.broadcast %mul3A_312 : i32 to vector<16xi32>
    %mul3A_314 = arith.muli %and3A_311, %mul3A_313 : vector<16xi32>
    %add3A_315 = arith.addi %mul3A_308, %mul3A_314 : vector<16xi32>
    %and3A_316 = arith.constant 7 : i32
    %and3A_317 = vector.broadcast %and3A_316 : i32 to vector<16xi32>
    %and3A_318 = arith.andi %get3A_305, %and3A_317 : vector<16xi32>
    %add3A_319 = arith.addi %add3A_315, %and3A_318 : vector<16xi32>
    %swap3A_320 = arith.constant 80 : index
    %swap3A_321 = tpu.vector_load %arg16[%swap3A_320] {strides = array<i32>} : memref<128xi32, #tpu.memory_space<vmem>>, vector<16xi32>,
    tpu.vector_store %arg16[%swap3A_320], %add3A_319 {strides = array<i32>} : memref<128xi32, #tpu.memory_space<vmem>>, vector<16xi32>,
    %get3A_322 = arith.constant 224 : index
    %get3A_323 = tpu.vector_load %arg12[%get3A_322] {strides = array<i32>} : memref<512xi32, #tpu.memory_space<vmem>>, vector<16xi32>,
    %get3A_324 = arith.constant 224 : index
    %get3A_325 = tpu.vector_load %arg13[%get3A_324] {strides = array<i32>} : memref<512xi32, #tpu.memory_space<vmem>>, vector<16xi32>,
    %get3A_326 = arith.constant 224 : index
    %get3A_327 = tpu.vector_load %arg14[%get3A_326] {strides = array<i32>} : memref<512xi32, #tpu.memory_space<vmem>>, vector<16xi32>,
    %mul3A_328 = arith.constant 16 : i32
    %mul3A_329 = vector.broadcast %mul3A_328 : i32 to vector<16xi32>
    %mul3A_330 = arith.muli %get3A_323, %mul3A_329 : vector<16xi32>
    %and3A_331 = arith.constant 1 : i32
    %and3A_332 = vector.broadcast %and3A_331 : i32 to vector<16xi32>
    %and3A_333 = arith.andi %get3A_325, %and3A_332 : vector<16xi32>
    %mul3A_334 = arith.constant 8 : i32
    %mul3A_335 = vector.broadcast %mul3A_334 : i32 to vector<16xi32>
    %mul3A_336 = arith.muli %and3A_333, %mul3A_335 : vector<16xi32>
    %add3A_337 = arith.addi %mul3A_330, %mul3A_336 : vector<16xi32>
    %and3A_338 = arith.constant 7 : i32
    %and3A_339 = vector.broadcast %and3A_338 : i32 to vector<16xi32>
    %and3A_340 = arith.andi %get3A_327, %and3A_339 : vector<16xi32>
    %add3A_341 = arith.addi %add3A_337, %and3A_340 : vector<16xi32>
    %swap3A_342 = arith.constant 96 : index
    %swap3A_343 = tpu.vector_load %arg16[%swap3A_342] {strides = array<i32>} : memref<128xi32, #tpu.memory_space<vmem>>, vector<16xi32>,
    tpu.vector_store %arg16[%swap3A_342], %add3A_341 {strides = array<i32>} : memref<128xi32, #tpu.memory_space<vmem>>, vector<16xi32>,
    %get3A_344 = arith.constant 240 : index
    %get3A_345 = tpu.vector_load %arg12[%get3A_344] {strides = array<i32>} : memref<512xi32, #tpu.memory_space<vmem>>, vector<16xi32>,
    %get3A_346 = arith.constant 240 : index
    %get3A_347 = tpu.vector_load %arg13[%get3A_346] {strides = array<i32>} : memref<512xi32, #tpu.memory_space<vmem>>, vector<16xi32>,
    %get3A_348 = arith.constant 240 : index
    %get3A_349 = tpu.vector_load %arg14[%get3A_348] {strides = array<i32>} : memref<512xi32, #tpu.memory_space<vmem>>, vector<16xi32>,
    %mul3A_350 = arith.constant 16 : i32
    %mul3A_351 = vector.broadcast %mul3A_350 : i32 to vector<16xi32>
    %mul3A_352 = arith.muli %get3A_345, %mul3A_351 : vector<16xi32>
    %and3A_353 = arith.constant 1 : i32
    %and3A_354 = vector.broadcast %and3A_353 : i32 to vector<16xi32>
    %and3A_355 = arith.andi %get3A_347, %and3A_354 : vector<16xi32>
    %mul3A_356 = arith.constant 8 : i32
    %mul3A_357 = vector.broadcast %mul3A_356 : i32 to vector<16xi32>
    %mul3A_358 = arith.muli %and3A_355, %mul3A_357 : vector<16xi32>
    %add3A_359 = arith.addi %mul3A_352, %mul3A_358 : vector<16xi32>
    %and3A_360 = arith.constant 7 : i32
    %and3A_361 = vector.broadcast %and3A_360 : i32 to vector<16xi32>
    %and3A_362 = arith.andi %get3A_349, %and3A_361 : vector<16xi32>
    %add3A_363 = arith.addi %add3A_359, %and3A_362 : vector<16xi32>
    %swap3A_364 = arith.constant 112 : index
    %swap3A_365 = tpu.vector_load %arg16[%swap3A_364] {strides = array<i32>} : memref<128xi32, #tpu.memory_space<vmem>>, vector<16xi32>,
    tpu.vector_store %arg16[%swap3A_364], %add3A_363 {strides = array<i32>} : memref<128xi32, #tpu.memory_space<vmem>>, vector<16xi32>,
    %get3A_366 = arith.constant 256 : index
    %get3A_367 = tpu.vector_load %arg12[%get3A_366] {strides = array<i32>} : memref<512xi32, #tpu.memory_space<vmem>>, vector<16xi32>,
    %get3A_368 = arith.constant 256 : index
    %get3A_369 = tpu.vector_load %arg13[%get3A_368] {strides = array<i32>} : memref<512xi32, #tpu.memory_space<vmem>>, vector<16xi32>,
    %get3A_370 = arith.constant 256 : index
    %get3A_371 = tpu.vector_load %arg14[%get3A_370] {strides = array<i32>} : memref<512xi32, #tpu.memory_space<vmem>>, vector<16xi32>,
    %mul3A_372 = arith.constant 16 : i32
    %mul3A_373 = vector.broadcast %mul3A_372 : i32 to vector<16xi32>
    %mul3A_374 = arith.muli %get3A_367, %mul3A_373 : vector<16xi32>
    %and3A_375 = arith.constant 1 : i32
    %and3A_376 = vector.broadcast %and3A_375 : i32 to vector<16xi32>
    %and3A_377 = arith.andi %get3A_369, %and3A_376 : vector<16xi32>
    %mul3A_378 = arith.constant 8 : i32
    %mul3A_379 = vector.broadcast %mul3A_378 : i32 to vector<16xi32>
    %mul3A_380 = arith.muli %and3A_377, %mul3A_379 : vector<16xi32>
    %add3A_381 = arith.addi %mul3A_374, %mul3A_380 : vector<16xi32>
    %and3A_382 = arith.constant 7 : i32
    %and3A_383 = vector.broadcast %and3A_382 : i32 to vector<16xi32>
    %and3A_384 = arith.andi %get3A_371, %and3A_383 : vector<16xi32>
    %add3A_385 = arith.addi %add3A_381, %and3A_384 : vector<16xi32>
    %swap3A_386 = arith.constant 0 : index
    %swap3A_387 = tpu.vector_load %arg17[%swap3A_386] {strides = array<i32>} : memref<128xi32, #tpu.memory_space<vmem>>, vector<16xi32>,
    tpu.vector_store %arg17[%swap3A_386], %add3A_385 {strides = array<i32>} : memref<128xi32, #tpu.memory_space<vmem>>, vector<16xi32>,
    %get3A_388 = arith.constant 272 : index
    %get3A_389 = tpu.vector_load %arg12[%get3A_388] {strides = array<i32>} : memref<512xi32, #tpu.memory_space<vmem>>, vector<16xi32>,
    %get3A_390 = arith.constant 272 : index
    %get3A_391 = tpu.vector_load %arg13[%get3A_390] {strides = array<i32>} : memref<512xi32, #tpu.memory_space<vmem>>, vector<16xi32>,
    %get3A_392 = arith.constant 272 : index
    %get3A_393 = tpu.vector_load %arg14[%get3A_392] {strides = array<i32>} : memref<512xi32, #tpu.memory_space<vmem>>, vector<16xi32>,
    %mul3A_394 = arith.constant 16 : i32
    %mul3A_395 = vector.broadcast %mul3A_394 : i32 to vector<16xi32>
    %mul3A_396 = arith.muli %get3A_389, %mul3A_395 : vector<16xi32>
    %and3A_397 = arith.constant 1 : i32
    %and3A_398 = vector.broadcast %and3A_397 : i32 to vector<16xi32>
    %and3A_399 = arith.andi %get3A_391, %and3A_398 : vector<16xi32>
    %mul3A_400 = arith.constant 8 : i32
    %mul3A_401 = vector.broadcast %mul3A_400 : i32 to vector<16xi32>
    %mul3A_402 = arith.muli %and3A_399, %mul3A_401 : vector<16xi32>
    %add3A_403 = arith.addi %mul3A_396, %mul3A_402 : vector<16xi32>
    %and3A_404 = arith.constant 7 : i32
    %and3A_405 = vector.broadcast %and3A_404 : i32 to vector<16xi32>
    %and3A_406 = arith.andi %get3A_393, %and3A_405 : vector<16xi32>
    %add3A_407 = arith.addi %add3A_403, %and3A_406 : vector<16xi32>
    %swap3A_408 = arith.constant 16 : index
    %swap3A_409 = tpu.vector_load %arg17[%swap3A_408] {strides = array<i32>} : memref<128xi32, #tpu.memory_space<vmem>>, vector<16xi32>,
    tpu.vector_store %arg17[%swap3A_408], %add3A_407 {strides = array<i32>} : memref<128xi32, #tpu.memory_space<vmem>>, vector<16xi32>,
    %get3A_410 = arith.constant 288 : index
    %get3A_411 = tpu.vector_load %arg12[%get3A_410] {strides = array<i32>} : memref<512xi32, #tpu.memory_space<vmem>>, vector<16xi32>,
    %get3A_412 = arith.constant 288 : index
    %get3A_413 = tpu.vector_load %arg13[%get3A_412] {strides = array<i32>} : memref<512xi32, #tpu.memory_space<vmem>>, vector<16xi32>,
    %get3A_414 = arith.constant 288 : index
    %get3A_415 = tpu.vector_load %arg14[%get3A_414] {strides = array<i32>} : memref<512xi32, #tpu.memory_space<vmem>>, vector<16xi32>,
    %mul3A_416 = arith.constant 16 : i32
    %mul3A_417 = vector.broadcast %mul3A_416 : i32 to vector<16xi32>
    %mul3A_418 = arith.muli %get3A_411, %mul3A_417 : vector<16xi32>
    %and3A_419 = arith.constant 1 : i32
    %and3A_420 = vector.broadcast %and3A_419 : i32 to vector<16xi32>
    %and3A_421 = arith.andi %get3A_413, %and3A_420 : vector<16xi32>
    %mul3A_422 = arith.constant 8 : i32
    %mul3A_423 = vector.broadcast %mul3A_422 : i32 to vector<16xi32>
    %mul3A_424 = arith.muli %and3A_421, %mul3A_423 : vector<16xi32>
    %add3A_425 = arith.addi %mul3A_418, %mul3A_424 : vector<16xi32>
    %and3A_426 = arith.constant 7 : i32
    %and3A_427 = vector.broadcast %and3A_426 : i32 to vector<16xi32>
    %and3A_428 = arith.andi %get3A_415, %and3A_427 : vector<16xi32>
    %add3A_429 = arith.addi %add3A_425, %and3A_428 : vector<16xi32>
    %swap3A_430 = arith.constant 32 : index
    %swap3A_431 = tpu.vector_load %arg17[%swap3A_430] {strides = array<i32>} : memref<128xi32, #tpu.memory_space<vmem>>, vector<16xi32>,
    tpu.vector_store %arg17[%swap3A_430], %add3A_429 {strides = array<i32>} : memref<128xi32, #tpu.memory_space<vmem>>, vector<16xi32>,
    %get3A_432 = arith.constant 304 : index
    %get3A_433 = tpu.vector_load %arg12[%get3A_432] {strides = array<i32>} : memref<512xi32, #tpu.memory_space<vmem>>, vector<16xi32>,
    %get3A_434 = arith.constant 304 : index
    %get3A_435 = tpu.vector_load %arg13[%get3A_434] {strides = array<i32>} : memref<512xi32, #tpu.memory_space<vmem>>, vector<16xi32>,
    %get3A_436 = arith.constant 304 : index
    %get3A_437 = tpu.vector_load %arg14[%get3A_436] {strides = array<i32>} : memref<512xi32, #tpu.memory_space<vmem>>, vector<16xi32>,
    %mul3A_438 = arith.constant 16 : i32
    %mul3A_439 = vector.broadcast %mul3A_438 : i32 to vector<16xi32>
    %mul3A_440 = arith.muli %get3A_433, %mul3A_439 : vector<16xi32>
    %and3A_441 = arith.constant 1 : i32
    %and3A_442 = vector.broadcast %and3A_441 : i32 to vector<16xi32>
    %and3A_443 = arith.andi %get3A_435, %and3A_442 : vector<16xi32>
    %mul3A_444 = arith.constant 8 : i32
    %mul3A_445 = vector.broadcast %mul3A_444 : i32 to vector<16xi32>
    %mul3A_446 = arith.muli %and3A_443, %mul3A_445 : vector<16xi32>
    %add3A_447 = arith.addi %mul3A_440, %mul3A_446 : vector<16xi32>
    %and3A_448 = arith.constant 7 : i32
    %and3A_449 = vector.broadcast %and3A_448 : i32 to vector<16xi32>
    %and3A_450 = arith.andi %get3A_437, %and3A_449 : vector<16xi32>
    %add3A_451 = arith.addi %add3A_447, %and3A_450 : vector<16xi32>
    %swap3A_452 = arith.constant 48 : index
    %swap3A_453 = tpu.vector_load %arg17[%swap3A_452] {strides = array<i32>} : memref<128xi32, #tpu.memory_space<vmem>>, vector<16xi32>,
    tpu.vector_store %arg17[%swap3A_452], %add3A_451 {strides = array<i32>} : memref<128xi32, #tpu.memory_space<vmem>>, vector<16xi32>,
    %get3A_454 = arith.constant 320 : index
    %get3A_455 = tpu.vector_load %arg12[%get3A_454] {strides = array<i32>} : memref<512xi32, #tpu.memory_space<vmem>>, vector<16xi32>,
    %get3A_456 = arith.constant 320 : index
    %get3A_457 = tpu.vector_load %arg13[%get3A_456] {strides = array<i32>} : memref<512xi32, #tpu.memory_space<vmem>>, vector<16xi32>,
    %get3A_458 = arith.constant 320 : index
    %get3A_459 = tpu.vector_load %arg14[%get3A_458] {strides = array<i32>} : memref<512xi32, #tpu.memory_space<vmem>>, vector<16xi32>,
    %mul3A_460 = arith.constant 16 : i32
    %mul3A_461 = vector.broadcast %mul3A_460 : i32 to vector<16xi32>
    %mul3A_462 = arith.muli %get3A_455, %mul3A_461 : vector<16xi32>
    %and3A_463 = arith.constant 1 : i32
    %and3A_464 = vector.broadcast %and3A_463 : i32 to vector<16xi32>
    %and3A_465 = arith.andi %get3A_457, %and3A_464 : vector<16xi32>
    %mul3A_466 = arith.constant 8 : i32
    %mul3A_467 = vector.broadcast %mul3A_466 : i32 to vector<16xi32>
    %mul3A_468 = arith.muli %and3A_465, %mul3A_467 : vector<16xi32>
    %add3A_469 = arith.addi %mul3A_462, %mul3A_468 : vector<16xi32>
    %and3A_470 = arith.constant 7 : i32
    %and3A_471 = vector.broadcast %and3A_470 : i32 to vector<16xi32>
    %and3A_472 = arith.andi %get3A_459, %and3A_471 : vector<16xi32>
    %add3A_473 = arith.addi %add3A_469, %and3A_472 : vector<16xi32>
    %swap3A_474 = arith.constant 64 : index
    %swap3A_475 = tpu.vector_load %arg17[%swap3A_474] {strides = array<i32>} : memref<128xi32, #tpu.memory_space<vmem>>, vector<16xi32>,
    tpu.vector_store %arg17[%swap3A_474], %add3A_473 {strides = array<i32>} : memref<128xi32, #tpu.memory_space<vmem>>, vector<16xi32>,
    %get3A_476 = arith.constant 336 : index
    %get3A_477 = tpu.vector_load %arg12[%get3A_476] {strides = array<i32>} : memref<512xi32, #tpu.memory_space<vmem>>, vector<16xi32>,
    %get3A_478 = arith.constant 336 : index
    %get3A_479 = tpu.vector_load %arg13[%get3A_478] {strides = array<i32>} : memref<512xi32, #tpu.memory_space<vmem>>, vector<16xi32>,
    %get3A_480 = arith.constant 336 : index
    %get3A_481 = tpu.vector_load %arg14[%get3A_480] {strides = array<i32>} : memref<512xi32, #tpu.memory_space<vmem>>, vector<16xi32>,
    %mul3A_482 = arith.constant 16 : i32
    %mul3A_483 = vector.broadcast %mul3A_482 : i32 to vector<16xi32>
    %mul3A_484 = arith.muli %get3A_477, %mul3A_483 : vector<16xi32>
    %and3A_485 = arith.constant 1 : i32
    %and3A_486 = vector.broadcast %and3A_485 : i32 to vector<16xi32>
    %and3A_487 = arith.andi %get3A_479, %and3A_486 : vector<16xi32>
    %mul3A_488 = arith.constant 8 : i32
    %mul3A_489 = vector.broadcast %mul3A_488 : i32 to vector<16xi32>
    %mul3A_490 = arith.muli %and3A_487, %mul3A_489 : vector<16xi32>
    %add3A_491 = arith.addi %mul3A_484, %mul3A_490 : vector<16xi32>
    %and3A_492 = arith.constant 7 : i32
    %and3A_493 = vector.broadcast %and3A_492 : i32 to vector<16xi32>
    %and3A_494 = arith.andi %get3A_481, %and3A_493 : vector<16xi32>
    %add3A_495 = arith.addi %add3A_491, %and3A_494 : vector<16xi32>
    %swap3A_496 = arith.constant 80 : index
    %swap3A_497 = tpu.vector_load %arg17[%swap3A_496] {strides = array<i32>} : memref<128xi32, #tpu.memory_space<vmem>>, vector<16xi32>,
    tpu.vector_store %arg17[%swap3A_496], %add3A_495 {strides = array<i32>} : memref<128xi32, #tpu.memory_space<vmem>>, vector<16xi32>,
    %get3A_498 = arith.constant 352 : index
    %get3A_499 = tpu.vector_load %arg12[%get3A_498] {strides = array<i32>} : memref<512xi32, #tpu.memory_space<vmem>>, vector<16xi32>,
    %get3A_500 = arith.constant 352 : index
    %get3A_501 = tpu.vector_load %arg13[%get3A_500] {strides = array<i32>} : memref<512xi32, #tpu.memory_space<vmem>>, vector<16xi32>,
    %get3A_502 = arith.constant 352 : index
    %get3A_503 = tpu.vector_load %arg14[%get3A_502] {strides = array<i32>} : memref<512xi32, #tpu.memory_space<vmem>>, vector<16xi32>,
    %mul3A_504 = arith.constant 16 : i32
    %mul3A_505 = vector.broadcast %mul3A_504 : i32 to vector<16xi32>
    %mul3A_506 = arith.muli %get3A_499, %mul3A_505 : vector<16xi32>
    %and3A_507 = arith.constant 1 : i32
    %and3A_508 = vector.broadcast %and3A_507 : i32 to vector<16xi32>
    %and3A_509 = arith.andi %get3A_501, %and3A_508 : vector<16xi32>
    %mul3A_510 = arith.constant 8 : i32
    %mul3A_511 = vector.broadcast %mul3A_510 : i32 to vector<16xi32>
    %mul3A_512 = arith.muli %and3A_509, %mul3A_511 : vector<16xi32>
    %add3A_513 = arith.addi %mul3A_506, %mul3A_512 : vector<16xi32>
    %and3A_514 = arith.constant 7 : i32
    %and3A_515 = vector.broadcast %and3A_514 : i32 to vector<16xi32>
    %and3A_516 = arith.andi %get3A_503, %and3A_515 : vector<16xi32>
    %add3A_517 = arith.addi %add3A_513, %and3A_516 : vector<16xi32>
    %swap3A_518 = arith.constant 96 : index
    %swap3A_519 = tpu.vector_load %arg17[%swap3A_518] {strides = array<i32>} : memref<128xi32, #tpu.memory_space<vmem>>, vector<16xi32>,
    tpu.vector_store %arg17[%swap3A_518], %add3A_517 {strides = array<i32>} : memref<128xi32, #tpu.memory_space<vmem>>, vector<16xi32>,
    %get3A_520 = arith.constant 368 : index
    %get3A_521 = tpu.vector_load %arg12[%get3A_520] {strides = array<i32>} : memref<512xi32, #tpu.memory_space<vmem>>, vector<16xi32>,
    %get3A_522 = arith.constant 368 : index
    %get3A_523 = tpu.vector_load %arg13[%get3A_522] {strides = array<i32>} : memref<512xi32, #tpu.memory_space<vmem>>, vector<16xi32>,
    %get3A_524 = arith.constant 368 : index
    %get3A_525 = tpu.vector_load %arg14[%get3A_524] {strides = array<i32>} : memref<512xi32, #tpu.memory_space<vmem>>, vector<16xi32>,
    %mul3A_526 = arith.constant 16 : i32
    %mul3A_527 = vector.broadcast %mul3A_526 : i32 to vector<16xi32>
    %mul3A_528 = arith.muli %get3A_521, %mul3A_527 : vector<16xi32>
    %and3A_529 = arith.constant 1 : i32
    %and3A_530 = vector.broadcast %and3A_529 : i32 to vector<16xi32>
    %and3A_531 = arith.andi %get3A_523, %and3A_530 : vector<16xi32>
    %mul3A_532 = arith.constant 8 : i32
    %mul3A_533 = vector.broadcast %mul3A_532 : i32 to vector<16xi32>
    %mul3A_534 = arith.muli %and3A_531, %mul3A_533 : vector<16xi32>
    %add3A_535 = arith.addi %mul3A_528, %mul3A_534 : vector<16xi32>
    %and3A_536 = arith.constant 7 : i32
    %and3A_537 = vector.broadcast %and3A_536 : i32 to vector<16xi32>
    %and3A_538 = arith.andi %get3A_525, %and3A_537 : vector<16xi32>
    %add3A_539 = arith.addi %add3A_535, %and3A_538 : vector<16xi32>
    %swap3A_540 = arith.constant 112 : index
    %swap3A_541 = tpu.vector_load %arg17[%swap3A_540] {strides = array<i32>} : memref<128xi32, #tpu.memory_space<vmem>>, vector<16xi32>,
    tpu.vector_store %arg17[%swap3A_540], %add3A_539 {strides = array<i32>} : memref<128xi32, #tpu.memory_space<vmem>>, vector<16xi32>,
    %get3A_542 = arith.constant 384 : index
    %get3A_543 = tpu.vector_load %arg12[%get3A_542] {strides = array<i32>} : memref<512xi32, #tpu.memory_space<vmem>>, vector<16xi32>,
    %get3A_544 = arith.constant 384 : index
    %get3A_545 = tpu.vector_load %arg13[%get3A_544] {strides = array<i32>} : memref<512xi32, #tpu.memory_space<vmem>>, vector<16xi32>,
    %get3A_546 = arith.constant 384 : index
    %get3A_547 = tpu.vector_load %arg14[%get3A_546] {strides = array<i32>} : memref<512xi32, #tpu.memory_space<vmem>>, vector<16xi32>,
    %mul3A_548 = arith.constant 16 : i32
    %mul3A_549 = vector.broadcast %mul3A_548 : i32 to vector<16xi32>
    %mul3A_550 = arith.muli %get3A_543, %mul3A_549 : vector<16xi32>
    %and3A_551 = arith.constant 1 : i32
    %and3A_552 = vector.broadcast %and3A_551 : i32 to vector<16xi32>
    %and3A_553 = arith.andi %get3A_545, %and3A_552 : vector<16xi32>
    %mul3A_554 = arith.constant 8 : i32
    %mul3A_555 = vector.broadcast %mul3A_554 : i32 to vector<16xi32>
    %mul3A_556 = arith.muli %and3A_553, %mul3A_555 : vector<16xi32>
    %add3A_557 = arith.addi %mul3A_550, %mul3A_556 : vector<16xi32>
    %and3A_558 = arith.constant 7 : i32
    %and3A_559 = vector.broadcast %and3A_558 : i32 to vector<16xi32>
    %and3A_560 = arith.andi %get3A_547, %and3A_559 : vector<16xi32>
    %add3A_561 = arith.addi %add3A_557, %and3A_560 : vector<16xi32>
    %swap3A_562 = arith.constant 0 : index
    %swap3A_563 = tpu.vector_load %arg18[%swap3A_562] {strides = array<i32>} : memref<128xi32, #tpu.memory_space<vmem>>, vector<16xi32>,
    tpu.vector_store %arg18[%swap3A_562], %add3A_561 {strides = array<i32>} : memref<128xi32, #tpu.memory_space<vmem>>, vector<16xi32>,
    %get3A_564 = arith.constant 400 : index
    %get3A_565 = tpu.vector_load %arg12[%get3A_564] {strides = array<i32>} : memref<512xi32, #tpu.memory_space<vmem>>, vector<16xi32>,
    %get3A_566 = arith.constant 400 : index
    %get3A_567 = tpu.vector_load %arg13[%get3A_566] {strides = array<i32>} : memref<512xi32, #tpu.memory_space<vmem>>, vector<16xi32>,
    %get3A_568 = arith.constant 400 : index
    %get3A_569 = tpu.vector_load %arg14[%get3A_568] {strides = array<i32>} : memref<512xi32, #tpu.memory_space<vmem>>, vector<16xi32>,
    %mul3A_570 = arith.constant 16 : i32
    %mul3A_571 = vector.broadcast %mul3A_570 : i32 to vector<16xi32>
    %mul3A_572 = arith.muli %get3A_565, %mul3A_571 : vector<16xi32>
    %and3A_573 = arith.constant 1 : i32
    %and3A_574 = vector.broadcast %and3A_573 : i32 to vector<16xi32>
    %and3A_575 = arith.andi %get3A_567, %and3A_574 : vector<16xi32>
    %mul3A_576 = arith.constant 8 : i32
    %mul3A_577 = vector.broadcast %mul3A_576 : i32 to vector<16xi32>
    %mul3A_578 = arith.muli %and3A_575, %mul3A_577 : vector<16xi32>
    %add3A_579 = arith.addi %mul3A_572, %mul3A_578 : vector<16xi32>
    %and3A_580 = arith.constant 7 : i32
    %and3A_581 = vector.broadcast %and3A_580 : i32 to vector<16xi32>
    %and3A_582 = arith.andi %get3A_569, %and3A_581 : vector<16xi32>
    %add3A_583 = arith.addi %add3A_579, %and3A_582 : vector<16xi32>
    %swap3A_584 = arith.constant 16 : index
    %swap3A_585 = tpu.vector_load %arg18[%swap3A_584] {strides = array<i32>} : memref<128xi32, #tpu.memory_space<vmem>>, vector<16xi32>,
    tpu.vector_store %arg18[%swap3A_584], %add3A_583 {strides = array<i32>} : memref<128xi32, #tpu.memory_space<vmem>>, vector<16xi32>,
    %get3A_586 = arith.constant 416 : index
    %get3A_587 = tpu.vector_load %arg12[%get3A_586] {strides = array<i32>} : memref<512xi32, #tpu.memory_space<vmem>>, vector<16xi32>,
    %get3A_588 = arith.constant 416 : index
    %get3A_589 = tpu.vector_load %arg13[%get3A_588] {strides = array<i32>} : memref<512xi32, #tpu.memory_space<vmem>>, vector<16xi32>,
    %get3A_590 = arith.constant 416 : index
    %get3A_591 = tpu.vector_load %arg14[%get3A_590] {strides = array<i32>} : memref<512xi32, #tpu.memory_space<vmem>>, vector<16xi32>,
    %mul3A_592 = arith.constant 16 : i32
    %mul3A_593 = vector.broadcast %mul3A_592 : i32 to vector<16xi32>
    %mul3A_594 = arith.muli %get3A_587, %mul3A_593 : vector<16xi32>
    %and3A_595 = arith.constant 1 : i32
    %and3A_596 = vector.broadcast %and3A_595 : i32 to vector<16xi32>
    %and3A_597 = arith.andi %get3A_589, %and3A_596 : vector<16xi32>
    %mul3A_598 = arith.constant 8 : i32
    %mul3A_599 = vector.broadcast %mul3A_598 : i32 to vector<16xi32>
    %mul3A_600 = arith.muli %and3A_597, %mul3A_599 : vector<16xi32>
    %add3A_601 = arith.addi %mul3A_594, %mul3A_600 : vector<16xi32>
    %and3A_602 = arith.constant 7 : i32
    %and3A_603 = vector.broadcast %and3A_602 : i32 to vector<16xi32>
    %and3A_604 = arith.andi %get3A_591, %and3A_603 : vector<16xi32>
    %add3A_605 = arith.addi %add3A_601, %and3A_604 : vector<16xi32>
    %swap3A_606 = arith.constant 32 : index
    %swap3A_607 = tpu.vector_load %arg18[%swap3A_606] {strides = array<i32>} : memref<128xi32, #tpu.memory_space<vmem>>, vector<16xi32>,
    tpu.vector_store %arg18[%swap3A_606], %add3A_605 {strides = array<i32>} : memref<128xi32, #tpu.memory_space<vmem>>, vector<16xi32>,
    %get3A_608 = arith.constant 432 : index
    %get3A_609 = tpu.vector_load %arg12[%get3A_608] {strides = array<i32>} : memref<512xi32, #tpu.memory_space<vmem>>, vector<16xi32>,
    %get3A_610 = arith.constant 432 : index
    %get3A_611 = tpu.vector_load %arg13[%get3A_610] {strides = array<i32>} : memref<512xi32, #tpu.memory_space<vmem>>, vector<16xi32>,
    %get3A_612 = arith.constant 432 : index
    %get3A_613 = tpu.vector_load %arg14[%get3A_612] {strides = array<i32>} : memref<512xi32, #tpu.memory_space<vmem>>, vector<16xi32>,
    %mul3A_614 = arith.constant 16 : i32
    %mul3A_615 = vector.broadcast %mul3A_614 : i32 to vector<16xi32>
    %mul3A_616 = arith.muli %get3A_609, %mul3A_615 : vector<16xi32>
    %and3A_617 = arith.constant 1 : i32
    %and3A_618 = vector.broadcast %and3A_617 : i32 to vector<16xi32>
    %and3A_619 = arith.andi %get3A_611, %and3A_618 : vector<16xi32>
    %mul3A_620 = arith.constant 8 : i32
    %mul3A_621 = vector.broadcast %mul3A_620 : i32 to vector<16xi32>
    %mul3A_622 = arith.muli %and3A_619, %mul3A_621 : vector<16xi32>
    %add3A_623 = arith.addi %mul3A_616, %mul3A_622 : vector<16xi32>
    %and3A_624 = arith.constant 7 : i32
    %and3A_625 = vector.broadcast %and3A_624 : i32 to vector<16xi32>
    %and3A_626 = arith.andi %get3A_613, %and3A_625 : vector<16xi32>
    %add3A_627 = arith.addi %add3A_623, %and3A_626 : vector<16xi32>
    %swap3A_628 = arith.constant 48 : index
    %swap3A_629 = tpu.vector_load %arg18[%swap3A_628] {strides = array<i32>} : memref<128xi32, #tpu.memory_space<vmem>>, vector<16xi32>,
    tpu.vector_store %arg18[%swap3A_628], %add3A_627 {strides = array<i32>} : memref<128xi32, #tpu.memory_space<vmem>>, vector<16xi32>,
    %get3A_630 = arith.constant 448 : index
    %get3A_631 = tpu.vector_load %arg12[%get3A_630] {strides = array<i32>} : memref<512xi32, #tpu.memory_space<vmem>>, vector<16xi32>,
    %get3A_632 = arith.constant 448 : index
    %get3A_633 = tpu.vector_load %arg13[%get3A_632] {strides = array<i32>} : memref<512xi32, #tpu.memory_space<vmem>>, vector<16xi32>,
    %get3A_634 = arith.constant 448 : index
    %get3A_635 = tpu.vector_load %arg14[%get3A_634] {strides = array<i32>} : memref<512xi32, #tpu.memory_space<vmem>>, vector<16xi32>,
    %mul3A_636 = arith.constant 16 : i32
    %mul3A_637 = vector.broadcast %mul3A_636 : i32 to vector<16xi32>
    %mul3A_638 = arith.muli %get3A_631, %mul3A_637 : vector<16xi32>
    %and3A_639 = arith.constant 1 : i32
    %and3A_640 = vector.broadcast %and3A_639 : i32 to vector<16xi32>
    %and3A_641 = arith.andi %get3A_633, %and3A_640 : vector<16xi32>
    %mul3A_642 = arith.constant 8 : i32
    %mul3A_643 = vector.broadcast %mul3A_642 : i32 to vector<16xi32>
    %mul3A_644 = arith.muli %and3A_641, %mul3A_643 : vector<16xi32>
    %add3A_645 = arith.addi %mul3A_638, %mul3A_644 : vector<16xi32>
    %and3A_646 = arith.constant 7 : i32
    %and3A_647 = vector.broadcast %and3A_646 : i32 to vector<16xi32>
    %and3A_648 = arith.andi %get3A_635, %and3A_647 : vector<16xi32>
    %add3A_649 = arith.addi %add3A_645, %and3A_648 : vector<16xi32>
    %swap3A_650 = arith.constant 64 : index
    %swap3A_651 = tpu.vector_load %arg18[%swap3A_650] {strides = array<i32>} : memref<128xi32, #tpu.memory_space<vmem>>, vector<16xi32>,
    tpu.vector_store %arg18[%swap3A_650], %add3A_649 {strides = array<i32>} : memref<128xi32, #tpu.memory_space<vmem>>, vector<16xi32>,
    %get3A_652 = arith.constant 464 : index
    %get3A_653 = tpu.vector_load %arg12[%get3A_652] {strides = array<i32>} : memref<512xi32, #tpu.memory_space<vmem>>, vector<16xi32>,
    %get3A_654 = arith.constant 464 : index
    %get3A_655 = tpu.vector_load %arg13[%get3A_654] {strides = array<i32>} : memref<512xi32, #tpu.memory_space<vmem>>, vector<16xi32>,
    %get3A_656 = arith.constant 464 : index
    %get3A_657 = tpu.vector_load %arg14[%get3A_656] {strides = array<i32>} : memref<512xi32, #tpu.memory_space<vmem>>, vector<16xi32>,
    %mul3A_658 = arith.constant 16 : i32
    %mul3A_659 = vector.broadcast %mul3A_658 : i32 to vector<16xi32>
    %mul3A_660 = arith.muli %get3A_653, %mul3A_659 : vector<16xi32>
    %and3A_661 = arith.constant 1 : i32
    %and3A_662 = vector.broadcast %and3A_661 : i32 to vector<16xi32>
    %and3A_663 = arith.andi %get3A_655, %and3A_662 : vector<16xi32>
    %mul3A_664 = arith.constant 8 : i32
    %mul3A_665 = vector.broadcast %mul3A_664 : i32 to vector<16xi32>
    %mul3A_666 = arith.muli %and3A_663, %mul3A_665 : vector<16xi32>
    %add3A_667 = arith.addi %mul3A_660, %mul3A_666 : vector<16xi32>
    %and3A_668 = arith.constant 7 : i32
    %and3A_669 = vector.broadcast %and3A_668 : i32 to vector<16xi32>
    %and3A_670 = arith.andi %get3A_657, %and3A_669 : vector<16xi32>
    %add3A_671 = arith.addi %add3A_667, %and3A_670 : vector<16xi32>
    %swap3A_672 = arith.constant 80 : index
    %swap3A_673 = tpu.vector_load %arg18[%swap3A_672] {strides = array<i32>} : memref<128xi32, #tpu.memory_space<vmem>>, vector<16xi32>,
    tpu.vector_store %arg18[%swap3A_672], %add3A_671 {strides = array<i32>} : memref<128xi32, #tpu.memory_space<vmem>>, vector<16xi32>,
    %get3A_674 = arith.constant 480 : index
    %get3A_675 = tpu.vector_load %arg12[%get3A_674] {strides = array<i32>} : memref<512xi32, #tpu.memory_space<vmem>>, vector<16xi32>,
    %get3A_676 = arith.constant 480 : index
    %get3A_677 = tpu.vector_load %arg13[%get3A_676] {strides = array<i32>} : memref<512xi32, #tpu.memory_space<vmem>>, vector<16xi32>,
    %get3A_678 = arith.constant 480 : index
    %get3A_679 = tpu.vector_load %arg14[%get3A_678] {strides = array<i32>} : memref<512xi32, #tpu.memory_space<vmem>>, vector<16xi32>,
    %mul3A_680 = arith.constant 16 : i32
    %mul3A_681 = vector.broadcast %mul3A_680 : i32 to vector<16xi32>
    %mul3A_682 = arith.muli %get3A_675, %mul3A_681 : vector<16xi32>
    %and3A_683 = arith.constant 1 : i32
    %and3A_684 = vector.broadcast %and3A_683 : i32 to vector<16xi32>
    %and3A_685 = arith.andi %get3A_677, %and3A_684 : vector<16xi32>
    %mul3A_686 = arith.constant 8 : i32
    %mul3A_687 = vector.broadcast %mul3A_686 : i32 to vector<16xi32>
    %mul3A_688 = arith.muli %and3A_685, %mul3A_687 : vector<16xi32>
    %add3A_689 = arith.addi %mul3A_682, %mul3A_688 : vector<16xi32>
    %and3A_690 = arith.constant 7 : i32
    %and3A_691 = vector.broadcast %and3A_690 : i32 to vector<16xi32>
    %and3A_692 = arith.andi %get3A_679, %and3A_691 : vector<16xi32>
    %add3A_693 = arith.addi %add3A_689, %and3A_692 : vector<16xi32>
    %swap3A_694 = arith.constant 96 : index
    %swap3A_695 = tpu.vector_load %arg18[%swap3A_694] {strides = array<i32>} : memref<128xi32, #tpu.memory_space<vmem>>, vector<16xi32>,
    tpu.vector_store %arg18[%swap3A_694], %add3A_693 {strides = array<i32>} : memref<128xi32, #tpu.memory_space<vmem>>, vector<16xi32>,
    %get3A_696 = arith.constant 496 : index
    %get3A_697 = tpu.vector_load %arg12[%get3A_696] {strides = array<i32>} : memref<512xi32, #tpu.memory_space<vmem>>, vector<16xi32>,
    %get3A_698 = arith.constant 496 : index
    %get3A_699 = tpu.vector_load %arg13[%get3A_698] {strides = array<i32>} : memref<512xi32, #tpu.memory_space<vmem>>, vector<16xi32>,
    %get3A_700 = arith.constant 496 : index
    %get3A_701 = tpu.vector_load %arg14[%get3A_700] {strides = array<i32>} : memref<512xi32, #tpu.memory_space<vmem>>, vector<16xi32>,
    %mul3A_702 = arith.constant 16 : i32
    %mul3A_703 = vector.broadcast %mul3A_702 : i32 to vector<16xi32>
    %mul3A_704 = arith.muli %get3A_697, %mul3A_703 : vector<16xi32>
    %and3A_705 = arith.constant 1 : i32
    %and3A_706 = vector.broadcast %and3A_705 : i32 to vector<16xi32>
    %and3A_707 = arith.andi %get3A_699, %and3A_706 : vector<16xi32>
    %mul3A_708 = arith.constant 8 : i32
    %mul3A_709 = vector.broadcast %mul3A_708 : i32 to vector<16xi32>
    %mul3A_710 = arith.muli %and3A_707, %mul3A_709 : vector<16xi32>
    %add3A_711 = arith.addi %mul3A_704, %mul3A_710 : vector<16xi32>
    %and3A_712 = arith.constant 7 : i32
    %and3A_713 = vector.broadcast %and3A_712 : i32 to vector<16xi32>
    %and3A_714 = arith.andi %get3A_701, %and3A_713 : vector<16xi32>
    %add3A_715 = arith.addi %add3A_711, %and3A_714 : vector<16xi32>
    %swap3A_716 = arith.constant 112 : index
    %swap3A_717 = tpu.vector_load %arg18[%swap3A_716] {strides = array<i32>} : memref<128xi32, #tpu.memory_space<vmem>>, vector<16xi32>,
    tpu.vector_store %arg18[%swap3A_716], %add3A_715 {strides = array<i32>} : memref<128xi32, #tpu.memory_space<vmem>>, vector<16xi32>,
    %dma_start3A_718 = arith.constant 0 : i32
    %dma_start3A_719 = arith.constant 0 : i32
    %dma_start3A_720 = tpu.memref_slice %arg10[%dma_start3A_718, %dma_start3A_719] : memref<512x64xf32, #tpu.memory_space<vmem>> -> memref<128x64xf32, #tpu.memory_space<vmem>>
    %dma_start3A_721 = arith.constant 0 : i32
    %dma_start3A_722 = arith.constant 0 : i32
    %dma_start3A_723 = tpu.memref_slice %arg6[%dma_start3A_721, %dma_start3A_722] : memref<1600000x64xf32, #tpu.memory_space<hbm>> -> memref<1600000x64xf32, #tpu.memory_space<hbm>>
    tpu.enqueue_indirect_dma source(%dma_start3A_723 : memref<1600000x64xf32, #tpu.memory_space<hbm>>) target(%dma_start3A_720 : memref<128x64xf32, #tpu.memory_space<vmem>>) offsets(%arg15 : memref<128xi32, #tpu.memory_space<vmem>>) semaphore(%arg24 : memref<!tpu.dma_semaphore, #tpu.memory_space<semaphore_mem>>)
    %dma_start3A_724 = arith.constant 0 : i32
    %dma_start3A_725 = tpu.memref_slice %arg11[%dma_start3A_724] : memref<512xf32, #tpu.memory_space<vmem>> -> memref<128xf32, #tpu.memory_space<vmem>>
    %dma_start3A_726 = arith.constant 0 : i32
    %dma_start3A_727 = tpu.memref_slice %arg7[%dma_start3A_726] : memref<1600000xf32, #tpu.memory_space<hbm>> -> memref<1600000xf32, #tpu.memory_space<hbm>>
    tpu.enqueue_indirect_dma source(%dma_start3A_727 : memref<1600000xf32, #tpu.memory_space<hbm>>) target(%dma_start3A_725 : memref<128xf32, #tpu.memory_space<vmem>>) offsets(%arg15 : memref<128xi32, #tpu.memory_space<vmem>>) semaphore(%arg23 : memref<!tpu.dma_semaphore, #tpu.memory_space<semaphore_mem>>)
    %dma_start3A_728 = arith.constant 128 : i32
    %dma_start3A_729 = arith.constant 0 : i32
    %dma_start3A_730 = tpu.memref_slice %arg10[%dma_start3A_728, %dma_start3A_729] : memref<512x64xf32, #tpu.memory_space<vmem>> -> memref<128x64xf32, #tpu.memory_space<vmem>>
    %dma_start3A_731 = arith.constant 0 : i32
    %dma_start3A_732 = arith.constant 0 : i32
    %dma_start3A_733 = tpu.memref_slice %arg6[%dma_start3A_731, %dma_start3A_732] : memref<1600000x64xf32, #tpu.memory_space<hbm>> -> memref<1600000x64xf32, #tpu.memory_space<hbm>>
    tpu.enqueue_indirect_dma source(%dma_start3A_733 : memref<1600000x64xf32, #tpu.memory_space<hbm>>) target(%dma_start3A_730 : memref<128x64xf32, #tpu.memory_space<vmem>>) offsets(%arg16 : memref<128xi32, #tpu.memory_space<vmem>>) semaphore(%arg24 : memref<!tpu.dma_semaphore, #tpu.memory_space<semaphore_mem>>)
    %dma_start3A_734 = arith.constant 128 : i32
    %dma_start3A_735 = tpu.memref_slice %arg11[%dma_start3A_734] : memref<512xf32, #tpu.memory_space<vmem>> -> memref<128xf32, #tpu.memory_space<vmem>>
    %dma_start3A_736 = arith.constant 0 : i32
    %dma_start3A_737 = tpu.memref_slice %arg7[%dma_start3A_736] : memref<1600000xf32, #tpu.memory_space<hbm>> -> memref<1600000xf32, #tpu.memory_space<hbm>>
    tpu.enqueue_indirect_dma source(%dma_start3A_737 : memref<1600000xf32, #tpu.memory_space<hbm>>) target(%dma_start3A_735 : memref<128xf32, #tpu.memory_space<vmem>>) offsets(%arg16 : memref<128xi32, #tpu.memory_space<vmem>>) semaphore(%arg23 : memref<!tpu.dma_semaphore, #tpu.memory_space<semaphore_mem>>)
    %dma_start3A_738 = arith.constant 256 : i32
    %dma_start3A_739 = arith.constant 0 : i32
    %dma_start3A_740 = tpu.memref_slice %arg10[%dma_start3A_738, %dma_start3A_739] : memref<512x64xf32, #tpu.memory_space<vmem>> -> memref<128x64xf32, #tpu.memory_space<vmem>>
    %dma_start3A_741 = arith.constant 0 : i32
    %dma_start3A_742 = arith.constant 0 : i32
    %dma_start3A_743 = tpu.memref_slice %arg6[%dma_start3A_741, %dma_start3A_742] : memref<1600000x64xf32, #tpu.memory_space<hbm>> -> memref<1600000x64xf32, #tpu.memory_space<hbm>>
    tpu.enqueue_indirect_dma source(%dma_start3A_743 : memref<1600000x64xf32, #tpu.memory_space<hbm>>) target(%dma_start3A_740 : memref<128x64xf32, #tpu.memory_space<vmem>>) offsets(%arg17 : memref<128xi32, #tpu.memory_space<vmem>>) semaphore(%arg24 : memref<!tpu.dma_semaphore, #tpu.memory_space<semaphore_mem>>)
    %dma_start3A_744 = arith.constant 256 : i32
    %dma_start3A_745 = tpu.memref_slice %arg11[%dma_start3A_744] : memref<512xf32, #tpu.memory_space<vmem>> -> memref<128xf32, #tpu.memory_space<vmem>>
    %dma_start3A_746 = arith.constant 0 : i32
    %dma_start3A_747 = tpu.memref_slice %arg7[%dma_start3A_746] : memref<1600000xf32, #tpu.memory_space<hbm>> -> memref<1600000xf32, #tpu.memory_space<hbm>>
    tpu.enqueue_indirect_dma source(%dma_start3A_747 : memref<1600000xf32, #tpu.memory_space<hbm>>) target(%dma_start3A_745 : memref<128xf32, #tpu.memory_space<vmem>>) offsets(%arg17 : memref<128xi32, #tpu.memory_space<vmem>>) semaphore(%arg23 : memref<!tpu.dma_semaphore, #tpu.memory_space<semaphore_mem>>)
    %dma_start3A_748 = arith.constant 384 : i32
    %dma_start3A_749 = arith.constant 0 : i32
    %dma_start3A_750 = tpu.memref_slice %arg10[%dma_start3A_748, %dma_start3A_749] : memref<512x64xf32, #tpu.memory_space<vmem>> -> memref<128x64xf32, #tpu.memory_space<vmem>>
    %dma_start3A_751 = arith.constant 0 : i32
    %dma_start3A_752 = arith.constant 0 : i32
    %dma_start3A_753 = tpu.memref_slice %arg6[%dma_start3A_751, %dma_start3A_752] : memref<1600000x64xf32, #tpu.memory_space<hbm>> -> memref<1600000x64xf32, #tpu.memory_space<hbm>>
    tpu.enqueue_indirect_dma source(%dma_start3A_753 : memref<1600000x64xf32, #tpu.memory_space<hbm>>) target(%dma_start3A_750 : memref<128x64xf32, #tpu.memory_space<vmem>>) offsets(%arg18 : memref<128xi32, #tpu.memory_space<vmem>>) semaphore(%arg24 : memref<!tpu.dma_semaphore, #tpu.memory_space<semaphore_mem>>)
    %dma_start3A_754 = arith.constant 384 : i32
    %dma_start3A_755 = tpu.memref_slice %arg11[%dma_start3A_754] : memref<512xf32, #tpu.memory_space<vmem>> -> memref<128xf32, #tpu.memory_space<vmem>>
    %dma_start3A_756 = arith.constant 0 : i32
    %dma_start3A_757 = tpu.memref_slice %arg7[%dma_start3A_756] : memref<1600000xf32, #tpu.memory_space<hbm>> -> memref<1600000xf32, #tpu.memory_space<hbm>>
    tpu.enqueue_indirect_dma source(%dma_start3A_757 : memref<1600000xf32, #tpu.memory_space<hbm>>) target(%dma_start3A_755 : memref<128xf32, #tpu.memory_space<vmem>>) offsets(%arg18 : memref<128xi32, #tpu.memory_space<vmem>>) semaphore(%arg23 : memref<!tpu.dma_semaphore, #tpu.memory_space<semaphore_mem>>)
    %dma_wait3A_758 = arith.constant 0 : i32
    %dma_wait3A_759 = tpu.memref_slice %arg2[%mul3A_2, %dma_wait3A_758] : memref<16384x64xf32, #tpu.memory_space<hbm>> -> memref<512x64xf32, #tpu.memory_space<hbm>>
    %dma_wait3A_760 = arith.constant 0 : i32
    %dma_wait3A_761 = tpu.memref_slice %arg2[%mul3A_2, %dma_wait3A_760] : memref<16384x64xf32, #tpu.memory_space<hbm>> -> memref<512x64xf32, #tpu.memory_space<hbm>>
    tpu.wait_dma2 semaphore(%arg21 : memref<!tpu.dma_semaphore, #tpu.memory_space<semaphore_mem>>) src(%dma_wait3A_761 : memref<512x64xf32, #tpu.memory_space<hbm>>) dst(%arg9 : memref<512x64xf32, #tpu.memory_space<vmem>>)
    %dma_wait3A_762 = arith.constant 0 : i32
    %dma_wait3A_763 = arith.constant 0 : i32
    %dma_wait3A_764 = tpu.memref_slice %arg10[%dma_wait3A_762, %dma_wait3A_763] : memref<512x64xf32, #tpu.memory_space<vmem>> -> memref<128x64xf32, #tpu.memory_space<vmem>>
    %dma_wait3A_765 = arith.constant 0 : i32
    %dma_wait3A_766 = arith.constant 0 : i32
    %dma_wait3A_767 = tpu.memref_slice %arg6[%dma_wait3A_765, %dma_wait3A_766] : memref<1600000x64xf32, #tpu.memory_space<hbm>> -> memref<1600000x64xf32, #tpu.memory_space<hbm>>
    tpu.wait_indirect_dma semaphore(%arg24 : memref<!tpu.dma_semaphore, #tpu.memory_space<semaphore_mem>>) src(%dma_wait3A_767 : memref<1600000x64xf32, #tpu.memory_space<hbm>>) dst(%dma_wait3A_764 : memref<128x64xf32, #tpu.memory_space<vmem>>)
    %dma_wait3A_768 = arith.constant 0 : i32
    %dma_wait3A_769 = tpu.memref_slice %arg11[%dma_wait3A_768] : memref<512xf32, #tpu.memory_space<vmem>> -> memref<128xf32, #tpu.memory_space<vmem>>
    %dma_wait3A_770 = arith.constant 0 : i32
    %dma_wait3A_771 = tpu.memref_slice %arg7[%dma_wait3A_770] : memref<1600000xf32, #tpu.memory_space<hbm>> -> memref<1600000xf32, #tpu.memory_space<hbm>>
    tpu.wait_indirect_dma semaphore(%arg23 : memref<!tpu.dma_semaphore, #tpu.memory_space<semaphore_mem>>) src(%dma_wait3A_771 : memref<1600000xf32, #tpu.memory_space<hbm>>) dst(%dma_wait3A_769 : memref<128xf32, #tpu.memory_space<vmem>>)
    %dma_wait3A_772 = arith.constant 128 : i32
    %dma_wait3A_773 = arith.constant 0 : i32
    %dma_wait3A_774 = tpu.memref_slice %arg10[%dma_wait3A_772, %dma_wait3A_773] : memref<512x64xf32, #tpu.memory_space<vmem>> -> memref<128x64xf32, #tpu.memory_space<vmem>>
    %dma_wait3A_775 = arith.constant 0 : i32
    %dma_wait3A_776 = arith.constant 0 : i32
    %dma_wait3A_777 = tpu.memref_slice %arg6[%dma_wait3A_775, %dma_wait3A_776] : memref<1600000x64xf32, #tpu.memory_space<hbm>> -> memref<1600000x64xf32, #tpu.memory_space<hbm>>
    tpu.wait_indirect_dma semaphore(%arg24 : memref<!tpu.dma_semaphore, #tpu.memory_space<semaphore_mem>>) src(%dma_wait3A_777 : memref<1600000x64xf32, #tpu.memory_space<hbm>>) dst(%dma_wait3A_774 : memref<128x64xf32, #tpu.memory_space<vmem>>)
    %dma_wait3A_778 = arith.constant 128 : i32
    %dma_wait3A_779 = tpu.memref_slice %arg11[%dma_wait3A_778] : memref<512xf32, #tpu.memory_space<vmem>> -> memref<128xf32, #tpu.memory_space<vmem>>
    %dma_wait3A_780 = arith.constant 0 : i32
    %dma_wait3A_781 = tpu.memref_slice %arg7[%dma_wait3A_780] : memref<1600000xf32, #tpu.memory_space<hbm>> -> memref<1600000xf32, #tpu.memory_space<hbm>>
    tpu.wait_indirect_dma semaphore(%arg23 : memref<!tpu.dma_semaphore, #tpu.memory_space<semaphore_mem>>) src(%dma_wait3A_781 : memref<1600000xf32, #tpu.memory_space<hbm>>) dst(%dma_wait3A_779 : memref<128xf32, #tpu.memory_space<vmem>>)
    %dma_wait3A_782 = arith.constant 256 : i32
    %dma_wait3A_783 = arith.constant 0 : i32
    %dma_wait3A_784 = tpu.memref_slice %arg10[%dma_wait3A_782, %dma_wait3A_783] : memref<512x64xf32, #tpu.memory_space<vmem>> -> memref<128x64xf32, #tpu.memory_space<vmem>>
    %dma_wait3A_785 = arith.constant 0 : i32
    %dma_wait3A_786 = arith.constant 0 : i32
    %dma_wait3A_787 = tpu.memref_slice %arg6[%dma_wait3A_785, %dma_wait3A_786] : memref<1600000x64xf32, #tpu.memory_space<hbm>> -> memref<1600000x64xf32, #tpu.memory_space<hbm>>
    tpu.wait_indirect_dma semaphore(%arg24 : memref<!tpu.dma_semaphore, #tpu.memory_space<semaphore_mem>>) src(%dma_wait3A_787 : memref<1600000x64xf32, #tpu.memory_space<hbm>>) dst(%dma_wait3A_784 : memref<128x64xf32, #tpu.memory_space<vmem>>)
    %dma_wait3A_788 = arith.constant 256 : i32
    %dma_wait3A_789 = tpu.memref_slice %arg11[%dma_wait3A_788] : memref<512xf32, #tpu.memory_space<vmem>> -> memref<128xf32, #tpu.memory_space<vmem>>
    %dma_wait3A_790 = arith.constant 0 : i32
    %dma_wait3A_791 = tpu.memref_slice %arg7[%dma_wait3A_790] : memref<1600000xf32, #tpu.memory_space<hbm>> -> memref<1600000xf32, #tpu.memory_space<hbm>>
    tpu.wait_indirect_dma semaphore(%arg23 : memref<!tpu.dma_semaphore, #tpu.memory_space<semaphore_mem>>) src(%dma_wait3A_791 : memref<1600000xf32, #tpu.memory_space<hbm>>) dst(%dma_wait3A_789 : memref<128xf32, #tpu.memory_space<vmem>>)
    %dma_wait3A_792 = arith.constant 384 : i32
    %dma_wait3A_793 = arith.constant 0 : i32
    %dma_wait3A_794 = tpu.memref_slice %arg10[%dma_wait3A_792, %dma_wait3A_793] : memref<512x64xf32, #tpu.memory_space<vmem>> -> memref<128x64xf32, #tpu.memory_space<vmem>>
    %dma_wait3A_795 = arith.constant 0 : i32
    %dma_wait3A_796 = arith.constant 0 : i32
    %dma_wait3A_797 = tpu.memref_slice %arg6[%dma_wait3A_795, %dma_wait3A_796] : memref<1600000x64xf32, #tpu.memory_space<hbm>> -> memref<1600000x64xf32, #tpu.memory_space<hbm>>
    tpu.wait_indirect_dma semaphore(%arg24 : memref<!tpu.dma_semaphore, #tpu.memory_space<semaphore_mem>>) src(%dma_wait3A_797 : memref<1600000x64xf32, #tpu.memory_space<hbm>>) dst(%dma_wait3A_794 : memref<128x64xf32, #tpu.memory_space<vmem>>)
    %dma_wait3A_798 = arith.constant 384 : i32
    %dma_wait3A_799 = tpu.memref_slice %arg11[%dma_wait3A_798] : memref<512xf32, #tpu.memory_space<vmem>> -> memref<128xf32, #tpu.memory_space<vmem>>
    %dma_wait3A_800 = arith.constant 0 : i32
    %dma_wait3A_801 = tpu.memref_slice %arg7[%dma_wait3A_800] : memref<1600000xf32, #tpu.memory_space<hbm>> -> memref<1600000xf32, #tpu.memory_space<hbm>>
    tpu.wait_indirect_dma semaphore(%arg23 : memref<!tpu.dma_semaphore, #tpu.memory_space<semaphore_mem>>) src(%dma_wait3A_801 : memref<1600000xf32, #tpu.memory_space<hbm>>) dst(%dma_wait3A_799 : memref<128xf32, #tpu.memory_space<vmem>>)
    %iota3A = tpu.iota {dimensions = array<i32: 0>} : vector<16xi32>
    %scan3A = arith.constant 0 : i32
    %scan3A_802 = arith.constant 0 : i32
    %scan3A_803 = arith.constant 32 : i32
    %scan3A_804 = arith.addi %scan3A_802, %scan3A_803 : i32
    %scan3A_805 = arith.constant 1 : i32
    scf.for %scan3A_807 = %scan3A_802 to %scan3A_804 step %scan3A_805  : i32 {
      %mul3A_808 = arith.constant 16 : i32
      %mul3A_809 = arith.muli %scan3A_807, %mul3A_808 : i32
      %add3A_810 = arith.constant 0 : i32
      %add3A_811 = arith.addi %mul3A_809, %add3A_810 : i32
      %get3A_812 = arith.index_cast %add3A_811 : i32 to index
      %get3A_813 = arith.constant 0 : index
      %get3A_814 = tpu.vector_load %arg10[%get3A_812, %get3A_813] {strides = array<i32>} : memref<512x64xf32, #tpu.memory_space<vmem>>, vector<16xf32>,
      %get3A_815 = arith.index_cast %add3A_811 : i32 to index
      %get3A_816 = arith.constant 0 : index
      %get3A_817 = tpu.vector_load %arg9[%get3A_815, %get3A_816] {strides = array<i32>} : memref<512x64xf32, #tpu.memory_space<vmem>>, vector<16xf32>,
      %mul3A_818 = arith.mulf %get3A_814, %get3A_817 : vector<16xf32>
      %get3A_819 = arith.index_cast %add3A_811 : i32 to index
      %get3A_820 = arith.constant 16 : index
      %get3A_821 = tpu.vector_load %arg10[%get3A_819, %get3A_820] {strides = array<i32>} : memref<512x64xf32, #tpu.memory_space<vmem>>, vector<16xf32>,
      %get3A_822 = arith.index_cast %add3A_811 : i32 to index
      %get3A_823 = arith.constant 16 : index
      %get3A_824 = tpu.vector_load %arg9[%get3A_822, %get3A_823] {strides = array<i32>} : memref<512x64xf32, #tpu.memory_space<vmem>>, vector<16xf32>,
      %mul3A_825 = arith.mulf %get3A_821, %get3A_824 : vector<16xf32>
      %add3A_826 = arith.addf %mul3A_818, %mul3A_825 : vector<16xf32>
      %get3A_827 = arith.index_cast %add3A_811 : i32 to index
      %get3A_828 = arith.constant 32 : index
      %get3A_829 = tpu.vector_load %arg10[%get3A_827, %get3A_828] {strides = array<i32>} : memref<512x64xf32, #tpu.memory_space<vmem>>, vector<16xf32>,
      %get3A_830 = arith.index_cast %add3A_811 : i32 to index
      %get3A_831 = arith.constant 32 : index
      %get3A_832 = tpu.vector_load %arg9[%get3A_830, %get3A_831] {strides = array<i32>} : memref<512x64xf32, #tpu.memory_space<vmem>>, vector<16xf32>,
      %mul3A_833 = arith.mulf %get3A_829, %get3A_832 : vector<16xf32>
      %add3A_834 = arith.addf %add3A_826, %mul3A_833 : vector<16xf32>
      %get3A_835 = arith.index_cast %add3A_811 : i32 to index
      %get3A_836 = arith.constant 48 : index
      %get3A_837 = tpu.vector_load %arg10[%get3A_835, %get3A_836] {strides = array<i32>} : memref<512x64xf32, #tpu.memory_space<vmem>>, vector<16xf32>,
      %get3A_838 = arith.index_cast %add3A_811 : i32 to index
      %get3A_839 = arith.constant 48 : index
      %get3A_840 = tpu.vector_load %arg9[%get3A_838, %get3A_839] {strides = array<i32>} : memref<512x64xf32, #tpu.memory_space<vmem>>, vector<16xf32>,
      %mul3A_841 = arith.mulf %get3A_837, %get3A_840 : vector<16xf32>
      %add3A_842 = arith.addf %add3A_834, %mul3A_841 : vector<16xf32>
      %swap3A_843 = arith.constant 0 : i32
      %swap3A_844 = arith.index_cast %swap3A_843 : i32 to index
      %swap3A_845 = arith.constant 0 : index
      %swap3A_846 = tpu.vector_load %arg19[%swap3A_844, %swap3A_845] {strides = array<i32>} : memref<16x16xf32, #tpu.memory_space<vmem>>, vector<16xf32>,
      tpu.vector_store %arg19[%swap3A_844, %swap3A_845], %add3A_842 {strides = array<i32>} : memref<16x16xf32, #tpu.memory_space<vmem>>, vector<16xf32>,
      %add3A_847 = arith.constant 1 : i32
      %add3A_848 = arith.addi %mul3A_809, %add3A_847 : i32
      %get3A_849 = arith.index_cast %add3A_848 : i32 to index
      %get3A_850 = arith.constant 0 : index
      %get3A_851 = tpu.vector_load %arg10[%get3A_849, %get3A_850] {strides = array<i32>} : memref<512x64xf32, #tpu.memory_space<vmem>>, vector<16xf32>,
      %get3A_852 = arith.index_cast %add3A_848 : i32 to index
      %get3A_853 = arith.constant 0 : index
      %get3A_854 = tpu.vector_load %arg9[%get3A_852, %get3A_853] {strides = array<i32>} : memref<512x64xf32, #tpu.memory_space<vmem>>, vector<16xf32>,
      %mul3A_855 = arith.mulf %get3A_851, %get3A_854 : vector<16xf32>
      %get3A_856 = arith.index_cast %add3A_848 : i32 to index
      %get3A_857 = arith.constant 16 : index
      %get3A_858 = tpu.vector_load %arg10[%get3A_856, %get3A_857] {strides = array<i32>} : memref<512x64xf32, #tpu.memory_space<vmem>>, vector<16xf32>,
      %get3A_859 = arith.index_cast %add3A_848 : i32 to index
      %get3A_860 = arith.constant 16 : index
      %get3A_861 = tpu.vector_load %arg9[%get3A_859, %get3A_860] {strides = array<i32>} : memref<512x64xf32, #tpu.memory_space<vmem>>, vector<16xf32>,
      %mul3A_862 = arith.mulf %get3A_858, %get3A_861 : vector<16xf32>
      %add3A_863 = arith.addf %mul3A_855, %mul3A_862 : vector<16xf32>
      %get3A_864 = arith.index_cast %add3A_848 : i32 to index
      %get3A_865 = arith.constant 32 : index
      %get3A_866 = tpu.vector_load %arg10[%get3A_864, %get3A_865] {strides = array<i32>} : memref<512x64xf32, #tpu.memory_space<vmem>>, vector<16xf32>,
      %get3A_867 = arith.index_cast %add3A_848 : i32 to index
      %get3A_868 = arith.constant 32 : index
      %get3A_869 = tpu.vector_load %arg9[%get3A_867, %get3A_868] {strides = array<i32>} : memref<512x64xf32, #tpu.memory_space<vmem>>, vector<16xf32>,
      %mul3A_870 = arith.mulf %get3A_866, %get3A_869 : vector<16xf32>
      %add3A_871 = arith.addf %add3A_863, %mul3A_870 : vector<16xf32>
      %get3A_872 = arith.index_cast %add3A_848 : i32 to index
      %get3A_873 = arith.constant 48 : index
      %get3A_874 = tpu.vector_load %arg10[%get3A_872, %get3A_873] {strides = array<i32>} : memref<512x64xf32, #tpu.memory_space<vmem>>, vector<16xf32>,
      %get3A_875 = arith.index_cast %add3A_848 : i32 to index
      %get3A_876 = arith.constant 48 : index
      %get3A_877 = tpu.vector_load %arg9[%get3A_875, %get3A_876] {strides = array<i32>} : memref<512x64xf32, #tpu.memory_space<vmem>>, vector<16xf32>,
      %mul3A_878 = arith.mulf %get3A_874, %get3A_877 : vector<16xf32>
      %add3A_879 = arith.addf %add3A_871, %mul3A_878 : vector<16xf32>
      %swap3A_880 = arith.constant 1 : i32
      %swap3A_881 = arith.index_cast %swap3A_880 : i32 to index
      %swap3A_882 = arith.constant 0 : index
      %swap3A_883 = tpu.vector_load %arg19[%swap3A_881, %swap3A_882] {strides = array<i32>} : memref<16x16xf32, #tpu.memory_space<vmem>>, vector<16xf32>,
      tpu.vector_store %arg19[%swap3A_881, %swap3A_882], %add3A_879 {strides = array<i32>} : memref<16x16xf32, #tpu.memory_space<vmem>>, vector<16xf32>,
      %add3A_884 = arith.constant 2 : i32
      %add3A_885 = arith.addi %mul3A_809, %add3A_884 : i32
      %get3A_886 = arith.index_cast %add3A_885 : i32 to index
      %get3A_887 = arith.constant 0 : index
      %get3A_888 = tpu.vector_load %arg10[%get3A_886, %get3A_887] {strides = array<i32>} : memref<512x64xf32, #tpu.memory_space<vmem>>, vector<16xf32>,
      %get3A_889 = arith.index_cast %add3A_885 : i32 to index
      %get3A_890 = arith.constant 0 : index
      %get3A_891 = tpu.vector_load %arg9[%get3A_889, %get3A_890] {strides = array<i32>} : memref<512x64xf32, #tpu.memory_space<vmem>>, vector<16xf32>,
      %mul3A_892 = arith.mulf %get3A_888, %get3A_891 : vector<16xf32>
      %get3A_893 = arith.index_cast %add3A_885 : i32 to index
      %get3A_894 = arith.constant 16 : index
      %get3A_895 = tpu.vector_load %arg10[%get3A_893, %get3A_894] {strides = array<i32>} : memref<512x64xf32, #tpu.memory_space<vmem>>, vector<16xf32>,
      %get3A_896 = arith.index_cast %add3A_885 : i32 to index
      %get3A_897 = arith.constant 16 : index
      %get3A_898 = tpu.vector_load %arg9[%get3A_896, %get3A_897] {strides = array<i32>} : memref<512x64xf32, #tpu.memory_space<vmem>>, vector<16xf32>,
      %mul3A_899 = arith.mulf %get3A_895, %get3A_898 : vector<16xf32>
      %add3A_900 = arith.addf %mul3A_892, %mul3A_899 : vector<16xf32>
      %get3A_901 = arith.index_cast %add3A_885 : i32 to index
      %get3A_902 = arith.constant 32 : index
      %get3A_903 = tpu.vector_load %arg10[%get3A_901, %get3A_902] {strides = array<i32>} : memref<512x64xf32, #tpu.memory_space<vmem>>, vector<16xf32>,
      %get3A_904 = arith.index_cast %add3A_885 : i32 to index
      %get3A_905 = arith.constant 32 : index
      %get3A_906 = tpu.vector_load %arg9[%get3A_904, %get3A_905] {strides = array<i32>} : memref<512x64xf32, #tpu.memory_space<vmem>>, vector<16xf32>,
      %mul3A_907 = arith.mulf %get3A_903, %get3A_906 : vector<16xf32>
      %add3A_908 = arith.addf %add3A_900, %mul3A_907 : vector<16xf32>
      %get3A_909 = arith.index_cast %add3A_885 : i32 to index
      %get3A_910 = arith.constant 48 : index
      %get3A_911 = tpu.vector_load %arg10[%get3A_909, %get3A_910] {strides = array<i32>} : memref<512x64xf32, #tpu.memory_space<vmem>>, vector<16xf32>,
      %get3A_912 = arith.index_cast %add3A_885 : i32 to index
      %get3A_913 = arith.constant 48 : index
      %get3A_914 = tpu.vector_load %arg9[%get3A_912, %get3A_913] {strides = array<i32>} : memref<512x64xf32, #tpu.memory_space<vmem>>, vector<16xf32>,
      %mul3A_915 = arith.mulf %get3A_911, %get3A_914 : vector<16xf32>
      %add3A_916 = arith.addf %add3A_908, %mul3A_915 : vector<16xf32>
      %swap3A_917 = arith.constant 2 : i32
      %swap3A_918 = arith.index_cast %swap3A_917 : i32 to index
      %swap3A_919 = arith.constant 0 : index
      %swap3A_920 = tpu.vector_load %arg19[%swap3A_918, %swap3A_919] {strides = array<i32>} : memref<16x16xf32, #tpu.memory_space<vmem>>, vector<16xf32>,
      tpu.vector_store %arg19[%swap3A_918, %swap3A_919], %add3A_916 {strides = array<i32>} : memref<16x16xf32, #tpu.memory_space<vmem>>, vector<16xf32>,
      %add3A_921 = arith.constant 3 : i32
      %add3A_922 = arith.addi %mul3A_809, %add3A_921 : i32
      %get3A_923 = arith.index_cast %add3A_922 : i32 to index
      %get3A_924 = arith.constant 0 : index
      %get3A_925 = tpu.vector_load %arg10[%get3A_923, %get3A_924] {strides = array<i32>} : memref<512x64xf32, #tpu.memory_space<vmem>>, vector<16xf32>,
      %get3A_926 = arith.index_cast %add3A_922 : i32 to index
      %get3A_927 = arith.constant 0 : index
      %get3A_928 = tpu.vector_load %arg9[%get3A_926, %get3A_927] {strides = array<i32>} : memref<512x64xf32, #tpu.memory_space<vmem>>, vector<16xf32>,
      %mul3A_929 = arith.mulf %get3A_925, %get3A_928 : vector<16xf32>
      %get3A_930 = arith.index_cast %add3A_922 : i32 to index
      %get3A_931 = arith.constant 16 : index
      %get3A_932 = tpu.vector_load %arg10[%get3A_930, %get3A_931] {strides = array<i32>} : memref<512x64xf32, #tpu.memory_space<vmem>>, vector<16xf32>,
      %get3A_933 = arith.index_cast %add3A_922 : i32 to index
      %get3A_934 = arith.constant 16 : index
      %get3A_935 = tpu.vector_load %arg9[%get3A_933, %get3A_934] {strides = array<i32>} : memref<512x64xf32, #tpu.memory_space<vmem>>, vector<16xf32>,
      %mul3A_936 = arith.mulf %get3A_932, %get3A_935 : vector<16xf32>
      %add3A_937 = arith.addf %mul3A_929, %mul3A_936 : vector<16xf32>
      %get3A_938 = arith.index_cast %add3A_922 : i32 to index
      %get3A_939 = arith.constant 32 : index
      %get3A_940 = tpu.vector_load %arg10[%get3A_938, %get3A_939] {strides = array<i32>} : memref<512x64xf32, #tpu.memory_space<vmem>>, vector<16xf32>,
      %get3A_941 = arith.index_cast %add3A_922 : i32 to index
      %get3A_942 = arith.constant 32 : index
      %get3A_943 = tpu.vector_load %arg9[%get3A_941, %get3A_942] {strides = array<i32>} : memref<512x64xf32, #tpu.memory_space<vmem>>, vector<16xf32>,
      %mul3A_944 = arith.mulf %get3A_940, %get3A_943 : vector<16xf32>
      %add3A_945 = arith.addf %add3A_937, %mul3A_944 : vector<16xf32>
      %get3A_946 = arith.index_cast %add3A_922 : i32 to index
      %get3A_947 = arith.constant 48 : index
      %get3A_948 = tpu.vector_load %arg10[%get3A_946, %get3A_947] {strides = array<i32>} : memref<512x64xf32, #tpu.memory_space<vmem>>, vector<16xf32>,
      %get3A_949 = arith.index_cast %add3A_922 : i32 to index
      %get3A_950 = arith.constant 48 : index
      %get3A_951 = tpu.vector_load %arg9[%get3A_949, %get3A_950] {strides = array<i32>} : memref<512x64xf32, #tpu.memory_space<vmem>>, vector<16xf32>,
      %mul3A_952 = arith.mulf %get3A_948, %get3A_951 : vector<16xf32>
      %add3A_953 = arith.addf %add3A_945, %mul3A_952 : vector<16xf32>
      %swap3A_954 = arith.constant 3 : i32
      %swap3A_955 = arith.index_cast %swap3A_954 : i32 to index
      %swap3A_956 = arith.constant 0 : index
      %swap3A_957 = tpu.vector_load %arg19[%swap3A_955, %swap3A_956] {strides = array<i32>} : memref<16x16xf32, #tpu.memory_space<vmem>>, vector<16xf32>,
      tpu.vector_store %arg19[%swap3A_955, %swap3A_956], %add3A_953 {strides = array<i32>} : memref<16x16xf32, #tpu.memory_space<vmem>>, vector<16xf32>,
      %add3A_958 = arith.constant 4 : i32
      %add3A_959 = arith.addi %mul3A_809, %add3A_958 : i32
      %get3A_960 = arith.index_cast %add3A_959 : i32 to index
      %get3A_961 = arith.constant 0 : index
      %get3A_962 = tpu.vector_load %arg10[%get3A_960, %get3A_961] {strides = array<i32>} : memref<512x64xf32, #tpu.memory_space<vmem>>, vector<16xf32>,
      %get3A_963 = arith.index_cast %add3A_959 : i32 to index
      %get3A_964 = arith.constant 0 : index
      %get3A_965 = tpu.vector_load %arg9[%get3A_963, %get3A_964] {strides = array<i32>} : memref<512x64xf32, #tpu.memory_space<vmem>>, vector<16xf32>,
      %mul3A_966 = arith.mulf %get3A_962, %get3A_965 : vector<16xf32>
      %get3A_967 = arith.index_cast %add3A_959 : i32 to index
      %get3A_968 = arith.constant 16 : index
      %get3A_969 = tpu.vector_load %arg10[%get3A_967, %get3A_968] {strides = array<i32>} : memref<512x64xf32, #tpu.memory_space<vmem>>, vector<16xf32>,
      %get3A_970 = arith.index_cast %add3A_959 : i32 to index
      %get3A_971 = arith.constant 16 : index
      %get3A_972 = tpu.vector_load %arg9[%get3A_970, %get3A_971] {strides = array<i32>} : memref<512x64xf32, #tpu.memory_space<vmem>>, vector<16xf32>,
      %mul3A_973 = arith.mulf %get3A_969, %get3A_972 : vector<16xf32>
      %add3A_974 = arith.addf %mul3A_966, %mul3A_973 : vector<16xf32>
      %get3A_975 = arith.index_cast %add3A_959 : i32 to index
      %get3A_976 = arith.constant 32 : index
      %get3A_977 = tpu.vector_load %arg10[%get3A_975, %get3A_976] {strides = array<i32>} : memref<512x64xf32, #tpu.memory_space<vmem>>, vector<16xf32>,
      %get3A_978 = arith.index_cast %add3A_959 : i32 to index
      %get3A_979 = arith.constant 32 : index
      %get3A_980 = tpu.vector_load %arg9[%get3A_978, %get3A_979] {strides = array<i32>} : memref<512x64xf32, #tpu.memory_space<vmem>>, vector<16xf32>,
      %mul3A_981 = arith.mulf %get3A_977, %get3A_980 : vector<16xf32>
      %add3A_982 = arith.addf %add3A_974, %mul3A_981 : vector<16xf32>
      %get3A_983 = arith.index_cast %add3A_959 : i32 to index
      %get3A_984 = arith.constant 48 : index
      %get3A_985 = tpu.vector_load %arg10[%get3A_983, %get3A_984] {strides = array<i32>} : memref<512x64xf32, #tpu.memory_space<vmem>>, vector<16xf32>,
      %get3A_986 = arith.index_cast %add3A_959 : i32 to index
      %get3A_987 = arith.constant 48 : index
      %get3A_988 = tpu.vector_load %arg9[%get3A_986, %get3A_987] {strides = array<i32>} : memref<512x64xf32, #tpu.memory_space<vmem>>, vector<16xf32>,
      %mul3A_989 = arith.mulf %get3A_985, %get3A_988 : vector<16xf32>
      %add3A_990 = arith.addf %add3A_982, %mul3A_989 : vector<16xf32>
      %swap3A_991 = arith.constant 4 : i32
      %swap3A_992 = arith.index_cast %swap3A_991 : i32 to index
      %swap3A_993 = arith.constant 0 : index
      %swap3A_994 = tpu.vector_load %arg19[%swap3A_992, %swap3A_993] {strides = array<i32>} : memref<16x16xf32, #tpu.memory_space<vmem>>, vector<16xf32>,
      tpu.vector_store %arg19[%swap3A_992, %swap3A_993], %add3A_990 {strides = array<i32>} : memref<16x16xf32, #tpu.memory_space<vmem>>, vector<16xf32>,
      %add3A_995 = arith.constant 5 : i32
      %add3A_996 = arith.addi %mul3A_809, %add3A_995 : i32
      %get3A_997 = arith.index_cast %add3A_996 : i32 to index
      %get3A_998 = arith.constant 0 : index
      %get3A_999 = tpu.vector_load %arg10[%get3A_997, %get3A_998] {strides = array<i32>} : memref<512x64xf32, #tpu.memory_space<vmem>>, vector<16xf32>,
      %get3A_1000 = arith.index_cast %add3A_996 : i32 to index
      %get3A_1001 = arith.constant 0 : index
      %get3A_1002 = tpu.vector_load %arg9[%get3A_1000, %get3A_1001] {strides = array<i32>} : memref<512x64xf32, #tpu.memory_space<vmem>>, vector<16xf32>,
      %mul3A_1003 = arith.mulf %get3A_999, %get3A_1002 : vector<16xf32>
      %get3A_1004 = arith.index_cast %add3A_996 : i32 to index
      %get3A_1005 = arith.constant 16 : index
      %get3A_1006 = tpu.vector_load %arg10[%get3A_1004, %get3A_1005] {strides = array<i32>} : memref<512x64xf32, #tpu.memory_space<vmem>>, vector<16xf32>,
      %get3A_1007 = arith.index_cast %add3A_996 : i32 to index
      %get3A_1008 = arith.constant 16 : index
      %get3A_1009 = tpu.vector_load %arg9[%get3A_1007, %get3A_1008] {strides = array<i32>} : memref<512x64xf32, #tpu.memory_space<vmem>>, vector<16xf32>,
      %mul3A_1010 = arith.mulf %get3A_1006, %get3A_1009 : vector<16xf32>
      %add3A_1011 = arith.addf %mul3A_1003, %mul3A_1010 : vector<16xf32>
      %get3A_1012 = arith.index_cast %add3A_996 : i32 to index
      %get3A_1013 = arith.constant 32 : index
      %get3A_1014 = tpu.vector_load %arg10[%get3A_1012, %get3A_1013] {strides = array<i32>} : memref<512x64xf32, #tpu.memory_space<vmem>>, vector<16xf32>,
      %get3A_1015 = arith.index_cast %add3A_996 : i32 to index
      %get3A_1016 = arith.constant 32 : index
      %get3A_1017 = tpu.vector_load %arg9[%get3A_1015, %get3A_1016] {strides = array<i32>} : memref<512x64xf32, #tpu.memory_space<vmem>>, vector<16xf32>,
      %mul3A_1018 = arith.mulf %get3A_1014, %get3A_1017 : vector<16xf32>
      %add3A_1019 = arith.addf %add3A_1011, %mul3A_1018 : vector<16xf32>
      %get3A_1020 = arith.index_cast %add3A_996 : i32 to index
      %get3A_1021 = arith.constant 48 : index
      %get3A_1022 = tpu.vector_load %arg10[%get3A_1020, %get3A_1021] {strides = array<i32>} : memref<512x64xf32, #tpu.memory_space<vmem>>, vector<16xf32>,
      %get3A_1023 = arith.index_cast %add3A_996 : i32 to index
      %get3A_1024 = arith.constant 48 : index
      %get3A_1025 = tpu.vector_load %arg9[%get3A_1023, %get3A_1024] {strides = array<i32>} : memref<512x64xf32, #tpu.memory_space<vmem>>, vector<16xf32>,
      %mul3A_1026 = arith.mulf %get3A_1022, %get3A_1025 : vector<16xf32>
      %add3A_1027 = arith.addf %add3A_1019, %mul3A_1026 : vector<16xf32>
      %swap3A_1028 = arith.constant 5 : i32
      %swap3A_1029 = arith.index_cast %swap3A_1028 : i32 to index
      %swap3A_1030 = arith.constant 0 : index
      %swap3A_1031 = tpu.vector_load %arg19[%swap3A_1029, %swap3A_1030] {strides = array<i32>} : memref<16x16xf32, #tpu.memory_space<vmem>>, vector<16xf32>,
      tpu.vector_store %arg19[%swap3A_1029, %swap3A_1030], %add3A_1027 {strides = array<i32>} : memref<16x16xf32, #tpu.memory_space<vmem>>, vector<16xf32>,
      %add3A_1032 = arith.constant 6 : i32
      %add3A_1033 = arith.addi %mul3A_809, %add3A_1032 : i32
      %get3A_1034 = arith.index_cast %add3A_1033 : i32 to index
      %get3A_1035 = arith.constant 0 : index
      %get3A_1036 = tpu.vector_load %arg10[%get3A_1034, %get3A_1035] {strides = array<i32>} : memref<512x64xf32, #tpu.memory_space<vmem>>, vector<16xf32>,
      %get3A_1037 = arith.index_cast %add3A_1033 : i32 to index
      %get3A_1038 = arith.constant 0 : index
      %get3A_1039 = tpu.vector_load %arg9[%get3A_1037, %get3A_1038] {strides = array<i32>} : memref<512x64xf32, #tpu.memory_space<vmem>>, vector<16xf32>,
      %mul3A_1040 = arith.mulf %get3A_1036, %get3A_1039 : vector<16xf32>
      %get3A_1041 = arith.index_cast %add3A_1033 : i32 to index
      %get3A_1042 = arith.constant 16 : index
      %get3A_1043 = tpu.vector_load %arg10[%get3A_1041, %get3A_1042] {strides = array<i32>} : memref<512x64xf32, #tpu.memory_space<vmem>>, vector<16xf32>,
      %get3A_1044 = arith.index_cast %add3A_1033 : i32 to index
      %get3A_1045 = arith.constant 16 : index
      %get3A_1046 = tpu.vector_load %arg9[%get3A_1044, %get3A_1045] {strides = array<i32>} : memref<512x64xf32, #tpu.memory_space<vmem>>, vector<16xf32>,
      %mul3A_1047 = arith.mulf %get3A_1043, %get3A_1046 : vector<16xf32>
      %add3A_1048 = arith.addf %mul3A_1040, %mul3A_1047 : vector<16xf32>
      %get3A_1049 = arith.index_cast %add3A_1033 : i32 to index
      %get3A_1050 = arith.constant 32 : index
      %get3A_1051 = tpu.vector_load %arg10[%get3A_1049, %get3A_1050] {strides = array<i32>} : memref<512x64xf32, #tpu.memory_space<vmem>>, vector<16xf32>,
      %get3A_1052 = arith.index_cast %add3A_1033 : i32 to index
      %get3A_1053 = arith.constant 32 : index
      %get3A_1054 = tpu.vector_load %arg9[%get3A_1052, %get3A_1053] {strides = array<i32>} : memref<512x64xf32, #tpu.memory_space<vmem>>, vector<16xf32>,
      %mul3A_1055 = arith.mulf %get3A_1051, %get3A_1054 : vector<16xf32>
      %add3A_1056 = arith.addf %add3A_1048, %mul3A_1055 : vector<16xf32>
      %get3A_1057 = arith.index_cast %add3A_1033 : i32 to index
      %get3A_1058 = arith.constant 48 : index
      %get3A_1059 = tpu.vector_load %arg10[%get3A_1057, %get3A_1058] {strides = array<i32>} : memref<512x64xf32, #tpu.memory_space<vmem>>, vector<16xf32>,
      %get3A_1060 = arith.index_cast %add3A_1033 : i32 to index
      %get3A_1061 = arith.constant 48 : index
      %get3A_1062 = tpu.vector_load %arg9[%get3A_1060, %get3A_1061] {strides = array<i32>} : memref<512x64xf32, #tpu.memory_space<vmem>>, vector<16xf32>,
      %mul3A_1063 = arith.mulf %get3A_1059, %get3A_1062 : vector<16xf32>
      %add3A_1064 = arith.addf %add3A_1056, %mul3A_1063 : vector<16xf32>
      %swap3A_1065 = arith.constant 6 : i32
      %swap3A_1066 = arith.index_cast %swap3A_1065 : i32 to index
      %swap3A_1067 = arith.constant 0 : index
      %swap3A_1068 = tpu.vector_load %arg19[%swap3A_1066, %swap3A_1067] {strides = array<i32>} : memref<16x16xf32, #tpu.memory_space<vmem>>, vector<16xf32>,
      tpu.vector_store %arg19[%swap3A_1066, %swap3A_1067], %add3A_1064 {strides = array<i32>} : memref<16x16xf32, #tpu.memory_space<vmem>>, vector<16xf32>,
      %add3A_1069 = arith.constant 7 : i32
      %add3A_1070 = arith.addi %mul3A_809, %add3A_1069 : i32
      %get3A_1071 = arith.index_cast %add3A_1070 : i32 to index
      %get3A_1072 = arith.constant 0 : index
      %get3A_1073 = tpu.vector_load %arg10[%get3A_1071, %get3A_1072] {strides = array<i32>} : memref<512x64xf32, #tpu.memory_space<vmem>>, vector<16xf32>,
      %get3A_1074 = arith.index_cast %add3A_1070 : i32 to index
      %get3A_1075 = arith.constant 0 : index
      %get3A_1076 = tpu.vector_load %arg9[%get3A_1074, %get3A_1075] {strides = array<i32>} : memref<512x64xf32, #tpu.memory_space<vmem>>, vector<16xf32>,
      %mul3A_1077 = arith.mulf %get3A_1073, %get3A_1076 : vector<16xf32>
      %get3A_1078 = arith.index_cast %add3A_1070 : i32 to index
      %get3A_1079 = arith.constant 16 : index
      %get3A_1080 = tpu.vector_load %arg10[%get3A_1078, %get3A_1079] {strides = array<i32>} : memref<512x64xf32, #tpu.memory_space<vmem>>, vector<16xf32>,
      %get3A_1081 = arith.index_cast %add3A_1070 : i32 to index
      %get3A_1082 = arith.constant 16 : index
      %get3A_1083 = tpu.vector_load %arg9[%get3A_1081, %get3A_1082] {strides = array<i32>} : memref<512x64xf32, #tpu.memory_space<vmem>>, vector<16xf32>,
      %mul3A_1084 = arith.mulf %get3A_1080, %get3A_1083 : vector<16xf32>
      %add3A_1085 = arith.addf %mul3A_1077, %mul3A_1084 : vector<16xf32>
      %get3A_1086 = arith.index_cast %add3A_1070 : i32 to index
      %get3A_1087 = arith.constant 32 : index
      %get3A_1088 = tpu.vector_load %arg10[%get3A_1086, %get3A_1087] {strides = array<i32>} : memref<512x64xf32, #tpu.memory_space<vmem>>, vector<16xf32>,
      %get3A_1089 = arith.index_cast %add3A_1070 : i32 to index
      %get3A_1090 = arith.constant 32 : index
      %get3A_1091 = tpu.vector_load %arg9[%get3A_1089, %get3A_1090] {strides = array<i32>} : memref<512x64xf32, #tpu.memory_space<vmem>>, vector<16xf32>,
      %mul3A_1092 = arith.mulf %get3A_1088, %get3A_1091 : vector<16xf32>
      %add3A_1093 = arith.addf %add3A_1085, %mul3A_1092 : vector<16xf32>
      %get3A_1094 = arith.index_cast %add3A_1070 : i32 to index
      %get3A_1095 = arith.constant 48 : index
      %get3A_1096 = tpu.vector_load %arg10[%get3A_1094, %get3A_1095] {strides = array<i32>} : memref<512x64xf32, #tpu.memory_space<vmem>>, vector<16xf32>,
      %get3A_1097 = arith.index_cast %add3A_1070 : i32 to index
      %get3A_1098 = arith.constant 48 : index
      %get3A_1099 = tpu.vector_load %arg9[%get3A_1097, %get3A_1098] {strides = array<i32>} : memref<512x64xf32, #tpu.memory_space<vmem>>, vector<16xf32>,
      %mul3A_1100 = arith.mulf %get3A_1096, %get3A_1099 : vector<16xf32>
      %add3A_1101 = arith.addf %add3A_1093, %mul3A_1100 : vector<16xf32>
      %swap3A_1102 = arith.constant 7 : i32
      %swap3A_1103 = arith.index_cast %swap3A_1102 : i32 to index
      %swap3A_1104 = arith.constant 0 : index
      %swap3A_1105 = tpu.vector_load %arg19[%swap3A_1103, %swap3A_1104] {strides = array<i32>} : memref<16x16xf32, #tpu.memory_space<vmem>>, vector<16xf32>,
      tpu.vector_store %arg19[%swap3A_1103, %swap3A_1104], %add3A_1101 {strides = array<i32>} : memref<16x16xf32, #tpu.memory_space<vmem>>, vector<16xf32>,
      %add3A_1106 = arith.constant 8 : i32
      %add3A_1107 = arith.addi %mul3A_809, %add3A_1106 : i32
      %get3A_1108 = arith.index_cast %add3A_1107 : i32 to index
      %get3A_1109 = arith.constant 0 : index
      %get3A_1110 = tpu.vector_load %arg10[%get3A_1108, %get3A_1109] {strides = array<i32>} : memref<512x64xf32, #tpu.memory_space<vmem>>, vector<16xf32>,
      %get3A_1111 = arith.index_cast %add3A_1107 : i32 to index
      %get3A_1112 = arith.constant 0 : index
      %get3A_1113 = tpu.vector_load %arg9[%get3A_1111, %get3A_1112] {strides = array<i32>} : memref<512x64xf32, #tpu.memory_space<vmem>>, vector<16xf32>,
      %mul3A_1114 = arith.mulf %get3A_1110, %get3A_1113 : vector<16xf32>
      %get3A_1115 = arith.index_cast %add3A_1107 : i32 to index
      %get3A_1116 = arith.constant 16 : index
      %get3A_1117 = tpu.vector_load %arg10[%get3A_1115, %get3A_1116] {strides = array<i32>} : memref<512x64xf32, #tpu.memory_space<vmem>>, vector<16xf32>,
      %get3A_1118 = arith.index_cast %add3A_1107 : i32 to index
      %get3A_1119 = arith.constant 16 : index
      %get3A_1120 = tpu.vector_load %arg9[%get3A_1118, %get3A_1119] {strides = array<i32>} : memref<512x64xf32, #tpu.memory_space<vmem>>, vector<16xf32>,
      %mul3A_1121 = arith.mulf %get3A_1117, %get3A_1120 : vector<16xf32>
      %add3A_1122 = arith.addf %mul3A_1114, %mul3A_1121 : vector<16xf32>
      %get3A_1123 = arith.index_cast %add3A_1107 : i32 to index
      %get3A_1124 = arith.constant 32 : index
      %get3A_1125 = tpu.vector_load %arg10[%get3A_1123, %get3A_1124] {strides = array<i32>} : memref<512x64xf32, #tpu.memory_space<vmem>>, vector<16xf32>,
      %get3A_1126 = arith.index_cast %add3A_1107 : i32 to index
      %get3A_1127 = arith.constant 32 : index
      %get3A_1128 = tpu.vector_load %arg9[%get3A_1126, %get3A_1127] {strides = array<i32>} : memref<512x64xf32, #tpu.memory_space<vmem>>, vector<16xf32>,
      %mul3A_1129 = arith.mulf %get3A_1125, %get3A_1128 : vector<16xf32>
      %add3A_1130 = arith.addf %add3A_1122, %mul3A_1129 : vector<16xf32>
      %get3A_1131 = arith.index_cast %add3A_1107 : i32 to index
      %get3A_1132 = arith.constant 48 : index
      %get3A_1133 = tpu.vector_load %arg10[%get3A_1131, %get3A_1132] {strides = array<i32>} : memref<512x64xf32, #tpu.memory_space<vmem>>, vector<16xf32>,
      %get3A_1134 = arith.index_cast %add3A_1107 : i32 to index
      %get3A_1135 = arith.constant 48 : index
      %get3A_1136 = tpu.vector_load %arg9[%get3A_1134, %get3A_1135] {strides = array<i32>} : memref<512x64xf32, #tpu.memory_space<vmem>>, vector<16xf32>,
      %mul3A_1137 = arith.mulf %get3A_1133, %get3A_1136 : vector<16xf32>
      %add3A_1138 = arith.addf %add3A_1130, %mul3A_1137 : vector<16xf32>
      %swap3A_1139 = arith.constant 8 : i32
      %swap3A_1140 = arith.index_cast %swap3A_1139 : i32 to index
      %swap3A_1141 = arith.constant 0 : index
      %swap3A_1142 = tpu.vector_load %arg19[%swap3A_1140, %swap3A_1141] {strides = array<i32>} : memref<16x16xf32, #tpu.memory_space<vmem>>, vector<16xf32>,
      tpu.vector_store %arg19[%swap3A_1140, %swap3A_1141], %add3A_1138 {strides = array<i32>} : memref<16x16xf32, #tpu.memory_space<vmem>>, vector<16xf32>,
      %add3A_1143 = arith.constant 9 : i32
      %add3A_1144 = arith.addi %mul3A_809, %add3A_1143 : i32
      %get3A_1145 = arith.index_cast %add3A_1144 : i32 to index
      %get3A_1146 = arith.constant 0 : index
      %get3A_1147 = tpu.vector_load %arg10[%get3A_1145, %get3A_1146] {strides = array<i32>} : memref<512x64xf32, #tpu.memory_space<vmem>>, vector<16xf32>,
      %get3A_1148 = arith.index_cast %add3A_1144 : i32 to index
      %get3A_1149 = arith.constant 0 : index
      %get3A_1150 = tpu.vector_load %arg9[%get3A_1148, %get3A_1149] {strides = array<i32>} : memref<512x64xf32, #tpu.memory_space<vmem>>, vector<16xf32>,
      %mul3A_1151 = arith.mulf %get3A_1147, %get3A_1150 : vector<16xf32>
      %get3A_1152 = arith.index_cast %add3A_1144 : i32 to index
      %get3A_1153 = arith.constant 16 : index
      %get3A_1154 = tpu.vector_load %arg10[%get3A_1152, %get3A_1153] {strides = array<i32>} : memref<512x64xf32, #tpu.memory_space<vmem>>, vector<16xf32>,
      %get3A_1155 = arith.index_cast %add3A_1144 : i32 to index
      %get3A_1156 = arith.constant 16 : index
      %get3A_1157 = tpu.vector_load %arg9[%get3A_1155, %get3A_1156] {strides = array<i32>} : memref<512x64xf32, #tpu.memory_space<vmem>>, vector<16xf32>,
      %mul3A_1158 = arith.mulf %get3A_1154, %get3A_1157 : vector<16xf32>
      %add3A_1159 = arith.addf %mul3A_1151, %mul3A_1158 : vector<16xf32>
      %get3A_1160 = arith.index_cast %add3A_1144 : i32 to index
      %get3A_1161 = arith.constant 32 : index
      %get3A_1162 = tpu.vector_load %arg10[%get3A_1160, %get3A_1161] {strides = array<i32>} : memref<512x64xf32, #tpu.memory_space<vmem>>, vector<16xf32>,
      %get3A_1163 = arith.index_cast %add3A_1144 : i32 to index
      %get3A_1164 = arith.constant 32 : index
      %get3A_1165 = tpu.vector_load %arg9[%get3A_1163, %get3A_1164] {strides = array<i32>} : memref<512x64xf32, #tpu.memory_space<vmem>>, vector<16xf32>,
      %mul3A_1166 = arith.mulf %get3A_1162, %get3A_1165 : vector<16xf32>
      %add3A_1167 = arith.addf %add3A_1159, %mul3A_1166 : vector<16xf32>
      %get3A_1168 = arith.index_cast %add3A_1144 : i32 to index
      %get3A_1169 = arith.constant 48 : index
      %get3A_1170 = tpu.vector_load %arg10[%get3A_1168, %get3A_1169] {strides = array<i32>} : memref<512x64xf32, #tpu.memory_space<vmem>>, vector<16xf32>,
      %get3A_1171 = arith.index_cast %add3A_1144 : i32 to index
      %get3A_1172 = arith.constant 48 : index
      %get3A_1173 = tpu.vector_load %arg9[%get3A_1171, %get3A_1172] {strides = array<i32>} : memref<512x64xf32, #tpu.memory_space<vmem>>, vector<16xf32>,
      %mul3A_1174 = arith.mulf %get3A_1170, %get3A_1173 : vector<16xf32>
      %add3A_1175 = arith.addf %add3A_1167, %mul3A_1174 : vector<16xf32>
      %swap3A_1176 = arith.constant 9 : i32
      %swap3A_1177 = arith.index_cast %swap3A_1176 : i32 to index
      %swap3A_1178 = arith.constant 0 : index
      %swap3A_1179 = tpu.vector_load %arg19[%swap3A_1177, %swap3A_1178] {strides = array<i32>} : memref<16x16xf32, #tpu.memory_space<vmem>>, vector<16xf32>,
      tpu.vector_store %arg19[%swap3A_1177, %swap3A_1178], %add3A_1175 {strides = array<i32>} : memref<16x16xf32, #tpu.memory_space<vmem>>, vector<16xf32>,
      %add3A_1180 = arith.constant 10 : i32
      %add3A_1181 = arith.addi %mul3A_809, %add3A_1180 : i32
      %get3A_1182 = arith.index_cast %add3A_1181 : i32 to index
      %get3A_1183 = arith.constant 0 : index
      %get3A_1184 = tpu.vector_load %arg10[%get3A_1182, %get3A_1183] {strides = array<i32>} : memref<512x64xf32, #tpu.memory_space<vmem>>, vector<16xf32>,
      %get3A_1185 = arith.index_cast %add3A_1181 : i32 to index
      %get3A_1186 = arith.constant 0 : index
      %get3A_1187 = tpu.vector_load %arg9[%get3A_1185, %get3A_1186] {strides = array<i32>} : memref<512x64xf32, #tpu.memory_space<vmem>>, vector<16xf32>,
      %mul3A_1188 = arith.mulf %get3A_1184, %get3A_1187 : vector<16xf32>
      %get3A_1189 = arith.index_cast %add3A_1181 : i32 to index
      %get3A_1190 = arith.constant 16 : index
      %get3A_1191 = tpu.vector_load %arg10[%get3A_1189, %get3A_1190] {strides = array<i32>} : memref<512x64xf32, #tpu.memory_space<vmem>>, vector<16xf32>,
      %get3A_1192 = arith.index_cast %add3A_1181 : i32 to index
      %get3A_1193 = arith.constant 16 : index
      %get3A_1194 = tpu.vector_load %arg9[%get3A_1192, %get3A_1193] {strides = array<i32>} : memref<512x64xf32, #tpu.memory_space<vmem>>, vector<16xf32>,
      %mul3A_1195 = arith.mulf %get3A_1191, %get3A_1194 : vector<16xf32>
      %add3A_1196 = arith.addf %mul3A_1188, %mul3A_1195 : vector<16xf32>
      %get3A_1197 = arith.index_cast %add3A_1181 : i32 to index
      %get3A_1198 = arith.constant 32 : index
      %get3A_1199 = tpu.vector_load %arg10[%get3A_1197, %get3A_1198] {strides = array<i32>} : memref<512x64xf32, #tpu.memory_space<vmem>>, vector<16xf32>,
      %get3A_1200 = arith.index_cast %add3A_1181 : i32 to index
      %get3A_1201 = arith.constant 32 : index
      %get3A_1202 = tpu.vector_load %arg9[%get3A_1200, %get3A_1201] {strides = array<i32>} : memref<512x64xf32, #tpu.memory_space<vmem>>, vector<16xf32>,
      %mul3A_1203 = arith.mulf %get3A_1199, %get3A_1202 : vector<16xf32>
      %add3A_1204 = arith.addf %add3A_1196, %mul3A_1203 : vector<16xf32>
      %get3A_1205 = arith.index_cast %add3A_1181 : i32 to index
      %get3A_1206 = arith.constant 48 : index
      %get3A_1207 = tpu.vector_load %arg10[%get3A_1205, %get3A_1206] {strides = array<i32>} : memref<512x64xf32, #tpu.memory_space<vmem>>, vector<16xf32>,
      %get3A_1208 = arith.index_cast %add3A_1181 : i32 to index
      %get3A_1209 = arith.constant 48 : index
      %get3A_1210 = tpu.vector_load %arg9[%get3A_1208, %get3A_1209] {strides = array<i32>} : memref<512x64xf32, #tpu.memory_space<vmem>>, vector<16xf32>,
      %mul3A_1211 = arith.mulf %get3A_1207, %get3A_1210 : vector<16xf32>
      %add3A_1212 = arith.addf %add3A_1204, %mul3A_1211 : vector<16xf32>
      %swap3A_1213 = arith.constant 10 : i32
      %swap3A_1214 = arith.index_cast %swap3A_1213 : i32 to index
      %swap3A_1215 = arith.constant 0 : index
      %swap3A_1216 = tpu.vector_load %arg19[%swap3A_1214, %swap3A_1215] {strides = array<i32>} : memref<16x16xf32, #tpu.memory_space<vmem>>, vector<16xf32>,
      tpu.vector_store %arg19[%swap3A_1214, %swap3A_1215], %add3A_1212 {strides = array<i32>} : memref<16x16xf32, #tpu.memory_space<vmem>>, vector<16xf32>,
      %add3A_1217 = arith.constant 11 : i32
      %add3A_1218 = arith.addi %mul3A_809, %add3A_1217 : i32
      %get3A_1219 = arith.index_cast %add3A_1218 : i32 to index
      %get3A_1220 = arith.constant 0 : index
      %get3A_1221 = tpu.vector_load %arg10[%get3A_1219, %get3A_1220] {strides = array<i32>} : memref<512x64xf32, #tpu.memory_space<vmem>>, vector<16xf32>,
      %get3A_1222 = arith.index_cast %add3A_1218 : i32 to index
      %get3A_1223 = arith.constant 0 : index
      %get3A_1224 = tpu.vector_load %arg9[%get3A_1222, %get3A_1223] {strides = array<i32>} : memref<512x64xf32, #tpu.memory_space<vmem>>, vector<16xf32>,
      %mul3A_1225 = arith.mulf %get3A_1221, %get3A_1224 : vector<16xf32>
      %get3A_1226 = arith.index_cast %add3A_1218 : i32 to index
      %get3A_1227 = arith.constant 16 : index
      %get3A_1228 = tpu.vector_load %arg10[%get3A_1226, %get3A_1227] {strides = array<i32>} : memref<512x64xf32, #tpu.memory_space<vmem>>, vector<16xf32>,
      %get3A_1229 = arith.index_cast %add3A_1218 : i32 to index
      %get3A_1230 = arith.constant 16 : index
      %get3A_1231 = tpu.vector_load %arg9[%get3A_1229, %get3A_1230] {strides = array<i32>} : memref<512x64xf32, #tpu.memory_space<vmem>>, vector<16xf32>,
      %mul3A_1232 = arith.mulf %get3A_1228, %get3A_1231 : vector<16xf32>
      %add3A_1233 = arith.addf %mul3A_1225, %mul3A_1232 : vector<16xf32>
      %get3A_1234 = arith.index_cast %add3A_1218 : i32 to index
      %get3A_1235 = arith.constant 32 : index
      %get3A_1236 = tpu.vector_load %arg10[%get3A_1234, %get3A_1235] {strides = array<i32>} : memref<512x64xf32, #tpu.memory_space<vmem>>, vector<16xf32>,
      %get3A_1237 = arith.index_cast %add3A_1218 : i32 to index
      %get3A_1238 = arith.constant 32 : index
      %get3A_1239 = tpu.vector_load %arg9[%get3A_1237, %get3A_1238] {strides = array<i32>} : memref<512x64xf32, #tpu.memory_space<vmem>>, vector<16xf32>,
      %mul3A_1240 = arith.mulf %get3A_1236, %get3A_1239 : vector<16xf32>
      %add3A_1241 = arith.addf %add3A_1233, %mul3A_1240 : vector<16xf32>
      %get3A_1242 = arith.index_cast %add3A_1218 : i32 to index
      %get3A_1243 = arith.constant 48 : index
      %get3A_1244 = tpu.vector_load %arg10[%get3A_1242, %get3A_1243] {strides = array<i32>} : memref<512x64xf32, #tpu.memory_space<vmem>>, vector<16xf32>,
      %get3A_1245 = arith.index_cast %add3A_1218 : i32 to index
      %get3A_1246 = arith.constant 48 : index
      %get3A_1247 = tpu.vector_load %arg9[%get3A_1245, %get3A_1246] {strides = array<i32>} : memref<512x64xf32, #tpu.memory_space<vmem>>, vector<16xf32>,
      %mul3A_1248 = arith.mulf %get3A_1244, %get3A_1247 : vector<16xf32>
      %add3A_1249 = arith.addf %add3A_1241, %mul3A_1248 : vector<16xf32>
      %swap3A_1250 = arith.constant 11 : i32
      %swap3A_1251 = arith.index_cast %swap3A_1250 : i32 to index
      %swap3A_1252 = arith.constant 0 : index
      %swap3A_1253 = tpu.vector_load %arg19[%swap3A_1251, %swap3A_1252] {strides = array<i32>} : memref<16x16xf32, #tpu.memory_space<vmem>>, vector<16xf32>,
      tpu.vector_store %arg19[%swap3A_1251, %swap3A_1252], %add3A_1249 {strides = array<i32>} : memref<16x16xf32, #tpu.memory_space<vmem>>, vector<16xf32>,
      %add3A_1254 = arith.constant 12 : i32
      %add3A_1255 = arith.addi %mul3A_809, %add3A_1254 : i32
      %get3A_1256 = arith.index_cast %add3A_1255 : i32 to index
      %get3A_1257 = arith.constant 0 : index
      %get3A_1258 = tpu.vector_load %arg10[%get3A_1256, %get3A_1257] {strides = array<i32>} : memref<512x64xf32, #tpu.memory_space<vmem>>, vector<16xf32>,
      %get3A_1259 = arith.index_cast %add3A_1255 : i32 to index
      %get3A_1260 = arith.constant 0 : index
      %get3A_1261 = tpu.vector_load %arg9[%get3A_1259, %get3A_1260] {strides = array<i32>} : memref<512x64xf32, #tpu.memory_space<vmem>>, vector<16xf32>,
      %mul3A_1262 = arith.mulf %get3A_1258, %get3A_1261 : vector<16xf32>
      %get3A_1263 = arith.index_cast %add3A_1255 : i32 to index
      %get3A_1264 = arith.constant 16 : index
      %get3A_1265 = tpu.vector_load %arg10[%get3A_1263, %get3A_1264] {strides = array<i32>} : memref<512x64xf32, #tpu.memory_space<vmem>>, vector<16xf32>,
      %get3A_1266 = arith.index_cast %add3A_1255 : i32 to index
      %get3A_1267 = arith.constant 16 : index
      %get3A_1268 = tpu.vector_load %arg9[%get3A_1266, %get3A_1267] {strides = array<i32>} : memref<512x64xf32, #tpu.memory_space<vmem>>, vector<16xf32>,
      %mul3A_1269 = arith.mulf %get3A_1265, %get3A_1268 : vector<16xf32>
      %add3A_1270 = arith.addf %mul3A_1262, %mul3A_1269 : vector<16xf32>
      %get3A_1271 = arith.index_cast %add3A_1255 : i32 to index
      %get3A_1272 = arith.constant 32 : index
      %get3A_1273 = tpu.vector_load %arg10[%get3A_1271, %get3A_1272] {strides = array<i32>} : memref<512x64xf32, #tpu.memory_space<vmem>>, vector<16xf32>,
      %get3A_1274 = arith.index_cast %add3A_1255 : i32 to index
      %get3A_1275 = arith.constant 32 : index
      %get3A_1276 = tpu.vector_load %arg9[%get3A_1274, %get3A_1275] {strides = array<i32>} : memref<512x64xf32, #tpu.memory_space<vmem>>, vector<16xf32>,
      %mul3A_1277 = arith.mulf %get3A_1273, %get3A_1276 : vector<16xf32>
      %add3A_1278 = arith.addf %add3A_1270, %mul3A_1277 : vector<16xf32>
      %get3A_1279 = arith.index_cast %add3A_1255 : i32 to index
      %get3A_1280 = arith.constant 48 : index
      %get3A_1281 = tpu.vector_load %arg10[%get3A_1279, %get3A_1280] {strides = array<i32>} : memref<512x64xf32, #tpu.memory_space<vmem>>, vector<16xf32>,
      %get3A_1282 = arith.index_cast %add3A_1255 : i32 to index
      %get3A_1283 = arith.constant 48 : index
      %get3A_1284 = tpu.vector_load %arg9[%get3A_1282, %get3A_1283] {strides = array<i32>} : memref<512x64xf32, #tpu.memory_space<vmem>>, vector<16xf32>,
      %mul3A_1285 = arith.mulf %get3A_1281, %get3A_1284 : vector<16xf32>
      %add3A_1286 = arith.addf %add3A_1278, %mul3A_1285 : vector<16xf32>
      %swap3A_1287 = arith.constant 12 : i32
      %swap3A_1288 = arith.index_cast %swap3A_1287 : i32 to index
      %swap3A_1289 = arith.constant 0 : index
      %swap3A_1290 = tpu.vector_load %arg19[%swap3A_1288, %swap3A_1289] {strides = array<i32>} : memref<16x16xf32, #tpu.memory_space<vmem>>, vector<16xf32>,
      tpu.vector_store %arg19[%swap3A_1288, %swap3A_1289], %add3A_1286 {strides = array<i32>} : memref<16x16xf32, #tpu.memory_space<vmem>>, vector<16xf32>,
      %add3A_1291 = arith.constant 13 : i32
      %add3A_1292 = arith.addi %mul3A_809, %add3A_1291 : i32
      %get3A_1293 = arith.index_cast %add3A_1292 : i32 to index
      %get3A_1294 = arith.constant 0 : index
      %get3A_1295 = tpu.vector_load %arg10[%get3A_1293, %get3A_1294] {strides = array<i32>} : memref<512x64xf32, #tpu.memory_space<vmem>>, vector<16xf32>,
      %get3A_1296 = arith.index_cast %add3A_1292 : i32 to index
      %get3A_1297 = arith.constant 0 : index
      %get3A_1298 = tpu.vector_load %arg9[%get3A_1296, %get3A_1297] {strides = array<i32>} : memref<512x64xf32, #tpu.memory_space<vmem>>, vector<16xf32>,
      %mul3A_1299 = arith.mulf %get3A_1295, %get3A_1298 : vector<16xf32>
      %get3A_1300 = arith.index_cast %add3A_1292 : i32 to index
      %get3A_1301 = arith.constant 16 : index
      %get3A_1302 = tpu.vector_load %arg10[%get3A_1300, %get3A_1301] {strides = array<i32>} : memref<512x64xf32, #tpu.memory_space<vmem>>, vector<16xf32>,
      %get3A_1303 = arith.index_cast %add3A_1292 : i32 to index
      %get3A_1304 = arith.constant 16 : index
      %get3A_1305 = tpu.vector_load %arg9[%get3A_1303, %get3A_1304] {strides = array<i32>} : memref<512x64xf32, #tpu.memory_space<vmem>>, vector<16xf32>,
      %mul3A_1306 = arith.mulf %get3A_1302, %get3A_1305 : vector<16xf32>
      %add3A_1307 = arith.addf %mul3A_1299, %mul3A_1306 : vector<16xf32>
      %get3A_1308 = arith.index_cast %add3A_1292 : i32 to index
      %get3A_1309 = arith.constant 32 : index
      %get3A_1310 = tpu.vector_load %arg10[%get3A_1308, %get3A_1309] {strides = array<i32>} : memref<512x64xf32, #tpu.memory_space<vmem>>, vector<16xf32>,
      %get3A_1311 = arith.index_cast %add3A_1292 : i32 to index
      %get3A_1312 = arith.constant 32 : index
      %get3A_1313 = tpu.vector_load %arg9[%get3A_1311, %get3A_1312] {strides = array<i32>} : memref<512x64xf32, #tpu.memory_space<vmem>>, vector<16xf32>,
      %mul3A_1314 = arith.mulf %get3A_1310, %get3A_1313 : vector<16xf32>
      %add3A_1315 = arith.addf %add3A_1307, %mul3A_1314 : vector<16xf32>
      %get3A_1316 = arith.index_cast %add3A_1292 : i32 to index
      %get3A_1317 = arith.constant 48 : index
      %get3A_1318 = tpu.vector_load %arg10[%get3A_1316, %get3A_1317] {strides = array<i32>} : memref<512x64xf32, #tpu.memory_space<vmem>>, vector<16xf32>,
      %get3A_1319 = arith.index_cast %add3A_1292 : i32 to index
      %get3A_1320 = arith.constant 48 : index
      %get3A_1321 = tpu.vector_load %arg9[%get3A_1319, %get3A_1320] {strides = array<i32>} : memref<512x64xf32, #tpu.memory_space<vmem>>, vector<16xf32>,
      %mul3A_1322 = arith.mulf %get3A_1318, %get3A_1321 : vector<16xf32>
      %add3A_1323 = arith.addf %add3A_1315, %mul3A_1322 : vector<16xf32>
      %swap3A_1324 = arith.constant 13 : i32
      %swap3A_1325 = arith.index_cast %swap3A_1324 : i32 to index
      %swap3A_1326 = arith.constant 0 : index
      %swap3A_1327 = tpu.vector_load %arg19[%swap3A_1325, %swap3A_1326] {strides = array<i32>} : memref<16x16xf32, #tpu.memory_space<vmem>>, vector<16xf32>,
      tpu.vector_store %arg19[%swap3A_1325, %swap3A_1326], %add3A_1323 {strides = array<i32>} : memref<16x16xf32, #tpu.memory_space<vmem>>, vector<16xf32>,
      %add3A_1328 = arith.constant 14 : i32
      %add3A_1329 = arith.addi %mul3A_809, %add3A_1328 : i32
      %get3A_1330 = arith.index_cast %add3A_1329 : i32 to index
      %get3A_1331 = arith.constant 0 : index
      %get3A_1332 = tpu.vector_load %arg10[%get3A_1330, %get3A_1331] {strides = array<i32>} : memref<512x64xf32, #tpu.memory_space<vmem>>, vector<16xf32>,
      %get3A_1333 = arith.index_cast %add3A_1329 : i32 to index
      %get3A_1334 = arith.constant 0 : index
      %get3A_1335 = tpu.vector_load %arg9[%get3A_1333, %get3A_1334] {strides = array<i32>} : memref<512x64xf32, #tpu.memory_space<vmem>>, vector<16xf32>,
      %mul3A_1336 = arith.mulf %get3A_1332, %get3A_1335 : vector<16xf32>
      %get3A_1337 = arith.index_cast %add3A_1329 : i32 to index
      %get3A_1338 = arith.constant 16 : index
      %get3A_1339 = tpu.vector_load %arg10[%get3A_1337, %get3A_1338] {strides = array<i32>} : memref<512x64xf32, #tpu.memory_space<vmem>>, vector<16xf32>,
      %get3A_1340 = arith.index_cast %add3A_1329 : i32 to index
      %get3A_1341 = arith.constant 16 : index
      %get3A_1342 = tpu.vector_load %arg9[%get3A_1340, %get3A_1341] {strides = array<i32>} : memref<512x64xf32, #tpu.memory_space<vmem>>, vector<16xf32>,
      %mul3A_1343 = arith.mulf %get3A_1339, %get3A_1342 : vector<16xf32>
      %add3A_1344 = arith.addf %mul3A_1336, %mul3A_1343 : vector<16xf32>
      %get3A_1345 = arith.index_cast %add3A_1329 : i32 to index
      %get3A_1346 = arith.constant 32 : index
      %get3A_1347 = tpu.vector_load %arg10[%get3A_1345, %get3A_1346] {strides = array<i32>} : memref<512x64xf32, #tpu.memory_space<vmem>>, vector<16xf32>,
      %get3A_1348 = arith.index_cast %add3A_1329 : i32 to index
      %get3A_1349 = arith.constant 32 : index
      %get3A_1350 = tpu.vector_load %arg9[%get3A_1348, %get3A_1349] {strides = array<i32>} : memref<512x64xf32, #tpu.memory_space<vmem>>, vector<16xf32>,
      %mul3A_1351 = arith.mulf %get3A_1347, %get3A_1350 : vector<16xf32>
      %add3A_1352 = arith.addf %add3A_1344, %mul3A_1351 : vector<16xf32>
      %get3A_1353 = arith.index_cast %add3A_1329 : i32 to index
      %get3A_1354 = arith.constant 48 : index
      %get3A_1355 = tpu.vector_load %arg10[%get3A_1353, %get3A_1354] {strides = array<i32>} : memref<512x64xf32, #tpu.memory_space<vmem>>, vector<16xf32>,
      %get3A_1356 = arith.index_cast %add3A_1329 : i32 to index
      %get3A_1357 = arith.constant 48 : index
      %get3A_1358 = tpu.vector_load %arg9[%get3A_1356, %get3A_1357] {strides = array<i32>} : memref<512x64xf32, #tpu.memory_space<vmem>>, vector<16xf32>,
      %mul3A_1359 = arith.mulf %get3A_1355, %get3A_1358 : vector<16xf32>
      %add3A_1360 = arith.addf %add3A_1352, %mul3A_1359 : vector<16xf32>
      %swap3A_1361 = arith.constant 14 : i32
      %swap3A_1362 = arith.index_cast %swap3A_1361 : i32 to index
      %swap3A_1363 = arith.constant 0 : index
      %swap3A_1364 = tpu.vector_load %arg19[%swap3A_1362, %swap3A_1363] {strides = array<i32>} : memref<16x16xf32, #tpu.memory_space<vmem>>, vector<16xf32>,
      tpu.vector_store %arg19[%swap3A_1362, %swap3A_1363], %add3A_1360 {strides = array<i32>} : memref<16x16xf32, #tpu.memory_space<vmem>>, vector<16xf32>,
      %add3A_1365 = arith.constant 15 : i32
      %add3A_1366 = arith.addi %mul3A_809, %add3A_1365 : i32
      %get3A_1367 = arith.index_cast %add3A_1366 : i32 to index
      %get3A_1368 = arith.constant 0 : index
      %get3A_1369 = tpu.vector_load %arg10[%get3A_1367, %get3A_1368] {strides = array<i32>} : memref<512x64xf32, #tpu.memory_space<vmem>>, vector<16xf32>,
      %get3A_1370 = arith.index_cast %add3A_1366 : i32 to index
      %get3A_1371 = arith.constant 0 : index
      %get3A_1372 = tpu.vector_load %arg9[%get3A_1370, %get3A_1371] {strides = array<i32>} : memref<512x64xf32, #tpu.memory_space<vmem>>, vector<16xf32>,
      %mul3A_1373 = arith.mulf %get3A_1369, %get3A_1372 : vector<16xf32>
      %get3A_1374 = arith.index_cast %add3A_1366 : i32 to index
      %get3A_1375 = arith.constant 16 : index
      %get3A_1376 = tpu.vector_load %arg10[%get3A_1374, %get3A_1375] {strides = array<i32>} : memref<512x64xf32, #tpu.memory_space<vmem>>, vector<16xf32>,
      %get3A_1377 = arith.index_cast %add3A_1366 : i32 to index
      %get3A_1378 = arith.constant 16 : index
      %get3A_1379 = tpu.vector_load %arg9[%get3A_1377, %get3A_1378] {strides = array<i32>} : memref<512x64xf32, #tpu.memory_space<vmem>>, vector<16xf32>,
      %mul3A_1380 = arith.mulf %get3A_1376, %get3A_1379 : vector<16xf32>
      %add3A_1381 = arith.addf %mul3A_1373, %mul3A_1380 : vector<16xf32>
      %get3A_1382 = arith.index_cast %add3A_1366 : i32 to index
      %get3A_1383 = arith.constant 32 : index
      %get3A_1384 = tpu.vector_load %arg10[%get3A_1382, %get3A_1383] {strides = array<i32>} : memref<512x64xf32, #tpu.memory_space<vmem>>, vector<16xf32>,
      %get3A_1385 = arith.index_cast %add3A_1366 : i32 to index
      %get3A_1386 = arith.constant 32 : index
      %get3A_1387 = tpu.vector_load %arg9[%get3A_1385, %get3A_1386] {strides = array<i32>} : memref<512x64xf32, #tpu.memory_space<vmem>>, vector<16xf32>,
      %mul3A_1388 = arith.mulf %get3A_1384, %get3A_1387 : vector<16xf32>
      %add3A_1389 = arith.addf %add3A_1381, %mul3A_1388 : vector<16xf32>
      %get3A_1390 = arith.index_cast %add3A_1366 : i32 to index
      %get3A_1391 = arith.constant 48 : index
      %get3A_1392 = tpu.vector_load %arg10[%get3A_1390, %get3A_1391] {strides = array<i32>} : memref<512x64xf32, #tpu.memory_space<vmem>>, vector<16xf32>,
      %get3A_1393 = arith.index_cast %add3A_1366 : i32 to index
      %get3A_1394 = arith.constant 48 : index
      %get3A_1395 = tpu.vector_load %arg9[%get3A_1393, %get3A_1394] {strides = array<i32>} : memref<512x64xf32, #tpu.memory_space<vmem>>, vector<16xf32>,
      %mul3A_1396 = arith.mulf %get3A_1392, %get3A_1395 : vector<16xf32>
      %add3A_1397 = arith.addf %add3A_1389, %mul3A_1396 : vector<16xf32>
      %swap3A_1398 = arith.constant 15 : i32
      %swap3A_1399 = arith.index_cast %swap3A_1398 : i32 to index
      %swap3A_1400 = arith.constant 0 : index
      %swap3A_1401 = tpu.vector_load %arg19[%swap3A_1399, %swap3A_1400] {strides = array<i32>} : memref<16x16xf32, #tpu.memory_space<vmem>>, vector<16xf32>,
      tpu.vector_store %arg19[%swap3A_1399, %swap3A_1400], %add3A_1397 {strides = array<i32>} : memref<16x16xf32, #tpu.memory_space<vmem>>, vector<16xf32>,
      %get3A_1402 = arith.index_cast %mul3A_809 : i32 to index
      %get3A_1403 = tpu.vector_load %arg11[%get3A_1402] {strides = array<i32>} : memref<512xf32, #tpu.memory_space<vmem>>, vector<16xf32>,
      %broadcast_in_dim3A = arith.constant 0 : i32
      %broadcast_in_dim3A_1404 = vector.broadcast %broadcast_in_dim3A : i32 to vector<16xi32>
      %gather3A = tpu.vector_load_idx %arg19[%iota3A, %broadcast_in_dim3A_1404] : memref<16x16xf32, #tpu.memory_space<vmem>>[vector<16xi32>, vector<16xi32>], vector<16xf32>,
      %add3A_1405 = arith.addf %get3A_1403, %gather3A : vector<16xf32>
      %broadcast_in_dim3A_1406 = arith.constant 1 : i32
      %broadcast_in_dim3A_1407 = vector.broadcast %broadcast_in_dim3A_1406 : i32 to vector<16xi32>
      %gather3A_1408 = tpu.vector_load_idx %arg19[%iota3A, %broadcast_in_dim3A_1407] : memref<16x16xf32, #tpu.memory_space<vmem>>[vector<16xi32>, vector<16xi32>], vector<16xf32>,
      %add3A_1409 = arith.addf %add3A_1405, %gather3A_1408 : vector<16xf32>
      %broadcast_in_dim3A_1410 = arith.constant 2 : i32
      %broadcast_in_dim3A_1411 = vector.broadcast %broadcast_in_dim3A_1410 : i32 to vector<16xi32>
      %gather3A_1412 = tpu.vector_load_idx %arg19[%iota3A, %broadcast_in_dim3A_1411] : memref<16x16xf32, #tpu.memory_space<vmem>>[vector<16xi32>, vector<16xi32>], vector<16xf32>,
      %add3A_1413 = arith.addf %add3A_1409, %gather3A_1412 : vector<16xf32>
      %broadcast_in_dim3A_1414 = arith.constant 3 : i32
      %broadcast_in_dim3A_1415 = vector.broadcast %broadcast_in_dim3A_1414 : i32 to vector<16xi32>
      %gather3A_1416 = tpu.vector_load_idx %arg19[%iota3A, %broadcast_in_dim3A_1415] : memref<16x16xf32, #tpu.memory_space<vmem>>[vector<16xi32>, vector<16xi32>], vector<16xf32>,
      %add3A_1417 = arith.addf %add3A_1413, %gather3A_1416 : vector<16xf32>
      %broadcast_in_dim3A_1418 = arith.constant 4 : i32
      %broadcast_in_dim3A_1419 = vector.broadcast %broadcast_in_dim3A_1418 : i32 to vector<16xi32>
      %gather3A_1420 = tpu.vector_load_idx %arg19[%iota3A, %broadcast_in_dim3A_1419] : memref<16x16xf32, #tpu.memory_space<vmem>>[vector<16xi32>, vector<16xi32>], vector<16xf32>,
      %add3A_1421 = arith.addf %add3A_1417, %gather3A_1420 : vector<16xf32>
      %broadcast_in_dim3A_1422 = arith.constant 5 : i32
      %broadcast_in_dim3A_1423 = vector.broadcast %broadcast_in_dim3A_1422 : i32 to vector<16xi32>
      %gather3A_1424 = tpu.vector_load_idx %arg19[%iota3A, %broadcast_in_dim3A_1423] : memref<16x16xf32, #tpu.memory_space<vmem>>[vector<16xi32>, vector<16xi32>], vector<16xf32>,
      %add3A_1425 = arith.addf %add3A_1421, %gather3A_1424 : vector<16xf32>
      %broadcast_in_dim3A_1426 = arith.constant 6 : i32
      %broadcast_in_dim3A_1427 = vector.broadcast %broadcast_in_dim3A_1426 : i32 to vector<16xi32>
      %gather3A_1428 = tpu.vector_load_idx %arg19[%iota3A, %broadcast_in_dim3A_1427] : memref<16x16xf32, #tpu.memory_space<vmem>>[vector<16xi32>, vector<16xi32>], vector<16xf32>,
      %add3A_1429 = arith.addf %add3A_1425, %gather3A_1428 : vector<16xf32>
      %broadcast_in_dim3A_1430 = arith.constant 7 : i32
      %broadcast_in_dim3A_1431 = vector.broadcast %broadcast_in_dim3A_1430 : i32 to vector<16xi32>
      %gather3A_1432 = tpu.vector_load_idx %arg19[%iota3A, %broadcast_in_dim3A_1431] : memref<16x16xf32, #tpu.memory_space<vmem>>[vector<16xi32>, vector<16xi32>], vector<16xf32>,
      %add3A_1433 = arith.addf %add3A_1429, %gather3A_1432 : vector<16xf32>
      %broadcast_in_dim3A_1434 = arith.constant 8 : i32
      %broadcast_in_dim3A_1435 = vector.broadcast %broadcast_in_dim3A_1434 : i32 to vector<16xi32>
      %gather3A_1436 = tpu.vector_load_idx %arg19[%iota3A, %broadcast_in_dim3A_1435] : memref<16x16xf32, #tpu.memory_space<vmem>>[vector<16xi32>, vector<16xi32>], vector<16xf32>,
      %add3A_1437 = arith.addf %add3A_1433, %gather3A_1436 : vector<16xf32>
      %broadcast_in_dim3A_1438 = arith.constant 9 : i32
      %broadcast_in_dim3A_1439 = vector.broadcast %broadcast_in_dim3A_1438 : i32 to vector<16xi32>
      %gather3A_1440 = tpu.vector_load_idx %arg19[%iota3A, %broadcast_in_dim3A_1439] : memref<16x16xf32, #tpu.memory_space<vmem>>[vector<16xi32>, vector<16xi32>], vector<16xf32>,
      %add3A_1441 = arith.addf %add3A_1437, %gather3A_1440 : vector<16xf32>
      %broadcast_in_dim3A_1442 = arith.constant 10 : i32
      %broadcast_in_dim3A_1443 = vector.broadcast %broadcast_in_dim3A_1442 : i32 to vector<16xi32>
      %gather3A_1444 = tpu.vector_load_idx %arg19[%iota3A, %broadcast_in_dim3A_1443] : memref<16x16xf32, #tpu.memory_space<vmem>>[vector<16xi32>, vector<16xi32>], vector<16xf32>,
      %add3A_1445 = arith.addf %add3A_1441, %gather3A_1444 : vector<16xf32>
      %broadcast_in_dim3A_1446 = arith.constant 11 : i32
      %broadcast_in_dim3A_1447 = vector.broadcast %broadcast_in_dim3A_1446 : i32 to vector<16xi32>
      %gather3A_1448 = tpu.vector_load_idx %arg19[%iota3A, %broadcast_in_dim3A_1447] : memref<16x16xf32, #tpu.memory_space<vmem>>[vector<16xi32>, vector<16xi32>], vector<16xf32>,
      %add3A_1449 = arith.addf %add3A_1445, %gather3A_1448 : vector<16xf32>
      %broadcast_in_dim3A_1450 = arith.constant 12 : i32
      %broadcast_in_dim3A_1451 = vector.broadcast %broadcast_in_dim3A_1450 : i32 to vector<16xi32>
      %gather3A_1452 = tpu.vector_load_idx %arg19[%iota3A, %broadcast_in_dim3A_1451] : memref<16x16xf32, #tpu.memory_space<vmem>>[vector<16xi32>, vector<16xi32>], vector<16xf32>,
      %add3A_1453 = arith.addf %add3A_1449, %gather3A_1452 : vector<16xf32>
      %broadcast_in_dim3A_1454 = arith.constant 13 : i32
      %broadcast_in_dim3A_1455 = vector.broadcast %broadcast_in_dim3A_1454 : i32 to vector<16xi32>
      %gather3A_1456 = tpu.vector_load_idx %arg19[%iota3A, %broadcast_in_dim3A_1455] : memref<16x16xf32, #tpu.memory_space<vmem>>[vector<16xi32>, vector<16xi32>], vector<16xf32>,
      %add3A_1457 = arith.addf %add3A_1453, %gather3A_1456 : vector<16xf32>
      %broadcast_in_dim3A_1458 = arith.constant 14 : i32
      %broadcast_in_dim3A_1459 = vector.broadcast %broadcast_in_dim3A_1458 : i32 to vector<16xi32>
      %gather3A_1460 = tpu.vector_load_idx %arg19[%iota3A, %broadcast_in_dim3A_1459] : memref<16x16xf32, #tpu.memory_space<vmem>>[vector<16xi32>, vector<16xi32>], vector<16xf32>,
      %add3A_1461 = arith.addf %add3A_1457, %gather3A_1460 : vector<16xf32>
      %broadcast_in_dim3A_1462 = arith.constant 15 : i32
      %broadcast_in_dim3A_1463 = vector.broadcast %broadcast_in_dim3A_1462 : i32 to vector<16xi32>
      %gather3A_1464 = tpu.vector_load_idx %arg19[%iota3A, %broadcast_in_dim3A_1463] : memref<16x16xf32, #tpu.memory_space<vmem>>[vector<16xi32>, vector<16xi32>], vector<16xf32>,
      %add3A_1465 = arith.addf %add3A_1461, %gather3A_1464 : vector<16xf32>
      %swap3A_1466 = arith.index_cast %mul3A_809 : i32 to index
      %swap3A_1467 = tpu.vector_load %arg20[%swap3A_1466] {strides = array<i32>} : memref<512xf32, #tpu.memory_space<vmem>>, vector<16xf32>,
      tpu.vector_store %arg20[%swap3A_1466], %add3A_1465 {strides = array<i32>} : memref<512xf32, #tpu.memory_space<vmem>>, vector<16xf32>,
    }
    %scan3A_806 = arith.constant 32 : i32
    "tpu.region"() ({
      %run_scoped3A = tpu.sem_alloc : memref<!tpu.dma_semaphore, #tpu.memory_space<semaphore_mem>>
      %dma_start3A_807 = tpu.memref_slice %arg8[%mul3A_2] : memref<16384xf32, #tpu.memory_space<hbm>> -> memref<512xf32, #tpu.memory_space<hbm>>
      %dma_start3A_808 = tpu.memref_slice %arg8[%mul3A_2] : memref<16384xf32, #tpu.memory_space<hbm>> -> memref<512xf32, #tpu.memory_space<hbm>>
      tpu.enqueue_dma source(%arg20 : memref<512xf32, #tpu.memory_space<vmem>>) target(%dma_start3A_808 : memref<512xf32, #tpu.memory_space<hbm>>) target_semaphore(%run_scoped3A : memref<!tpu.dma_semaphore, #tpu.memory_space<semaphore_mem>>)
      %dma_wait3A_809 = tpu.memref_slice %arg8[%mul3A_2] : memref<16384xf32, #tpu.memory_space<hbm>> -> memref<512xf32, #tpu.memory_space<hbm>>
      %dma_wait3A_810 = tpu.memref_slice %arg8[%mul3A_2] : memref<16384xf32, #tpu.memory_space<hbm>> -> memref<512xf32, #tpu.memory_space<hbm>>
      tpu.wait_dma2 semaphore(%run_scoped3A : memref<!tpu.dma_semaphore, #tpu.memory_space<semaphore_mem>>) src(%arg20 : memref<512xf32, #tpu.memory_space<vmem>>) dst(%dma_wait3A_810 : memref<512xf32, #tpu.memory_space<hbm>>)
      tpu.yield
    }) : () -> ()
    return
  }
}

</mosaic_0001>

<sc_bundles>
// kernel: kernel.3.cloned.1.call-start
scs
__scs_entry_jumppad:
0x0: {  	(pc) =	sbr.rel $0x88, $3  }
0x1: {  	(tag) =	ssettag $0x0;
	lr =	simm.s32 $0x1  }
0x2: {  	[smem:$0x3F9B] =	sst lr;
	_ =	strace $0xD0000000  }
0x3: {  	_ = 	snop  }
0x4: {  	_ = 	snop  }
0x5: {  	_ = 	snop  }
0x6: {  	_ = 	snop  }
0x7: {  	_ = 	snop  }
__scs_overlays_trampoline_lowered:
0x8: {  	[smem:$0x3FAA] =	sst s0  }
0x9: {  	[smem:$0x3FAB] =	sst s1  }
0xa: {  	[smem:$0x3FAC] =	sst s2  }
0xb: {  	[smem:$0x3FAD] =	sst s3  }
0xc: {  	[smem:$0x3FAE] =	sst s4  }
0xd: {  	[smem:$0x3FAF] =	sst s5  }
0xe: {  	[smem:$0x3FB0] =	sst s6  }
0xf: {  	[smem:$0x3FB1] =	sst s7  }
0x10: {  	[smem:$0x3FB2] =	sst s8  }
0x11: {  	[smem:$0x3FB3] =	sst s9;
	s0 =	simm.s32 @!p0 $0x0  }
0x12: {  	s1 =	sld [smem:$0x3F99];
	s0 =	simm.s32 @p0 $0x1  }
0x13: {  	[smem:$0x3FB4] =	sst s0;
	s0 =	simm.s32 @!p1 $0x0  }
0x14: {  	s2 =	sld [smem:$0x3F98];
	s0 =	simm.s32 @p1 $0x1  }
0x15: {  	[smem:$0x3FB5] =	sst s0;
	s0 =	simm.s32 @!p2 $0x0  }
0x16: {  	s3 =	sld [smem:$0x3FDB];
	s0 =	simm.s32 @p2 $0x1  }
0x17: {  	s4 =	simm.s32 $0x1BF5;
	[smem:$0x3FB7] =	sst s0  }
0x18: {  	s0 =	sld [smem:$0x3F9A];
	_ =	swait.ge [sflag:s4], $0x0  }
0x19: {  	s7 =	sld [smem:$0x3F9B]  }
0x1a: {  	s8 =	sadd.s32 $0xFFFFE003, lr  }
0x1b: {  	s9 =	sadd.s32 $0xFFFFFEF7, lr;
	s5 =	simm.s32 $0xFFFFFFFF;
	p2 =	slt.u32 s8, $0xFFFFF086  }
0x1c: {  	p1 =	slt.u32 s9, $0xF7A;
	s5 =	simm.s32 @!p2 $0x0  }
0x1d: {  	s5 =	simm.s32 @p1 $0x1;
	p0 =	seq.s32 s7, s2  }
0x1e: {  	s7 =	smul.u32 @!p0 $0xF7A, s2;
	p2 =	seq.s32 @!p0 s5, $0x0  }
0x1f: {  	s9 =	smul.u32 $0xF7A, s1;
	s8 =	simm.s32 @!p0 $0x1BF5;
	p2 =	por !p2, p0  }
0x20: {  	[sflag:s8] =	ssyncset.s32 @!p0 $0xFFFFF086;
	s6 =	sadd.s32 @!p0 s3, s7;
	s7 =	simm.s32 @!p0 $0x108  }
0x21: {  	s3 =	sadd.s32 s3, s9;
	s6 =	sadd.s32 @!p0 $0x88, s6;
	s7 =	simm.s32 @p2 $0x1082  }
0x22: {  	[simem:s7], [sflag:s8] =	dma.local @!p0 [hbm:s6], $0xF7A  }
0x23: {  	s9 =	sor.u32 $0xD0000000, s2;
	s6 =	simm.s32 $0x108;
	_ =	swait.ge @!p0 [sflag:s8], $0x0  }
0x24: {  	s3 =	sadd.s32 $0x88, s3;
	s6 =	simm.s32 @!p1 $0x1082;
	[sflag:s4] =	ssyncset.s32 $0xFFFFF086  }
0x25: {  	[simem:s6], [sflag:s4] =	dma.local [hbm:s3], $0xF7A  }
0x26: {  	[smem:$0x3F9B] =	sst s1;
	(tag) =	ssettag s2;
	_ =	strace s9  }
0x27: {  	s1 =	sld [smem:$0x3FAB]  }
0x28: {  	s2 =	sld [smem:$0x3FAC]  }
0x29: {  	s4 =	sld [smem:$0x3FAE]  }
0x2a: {  	p0 =	seq.s32 s5, $0x0;
	s5 =	sld [smem:$0x3FAF]  }
0x2b: {  	s6 =	sld [smem:$0x3FB0]  }
0x2c: {  	s7 =	sld [smem:$0x3FB1]  }
0x2d: {  	s3 =	simm.s32 $0x108;
	s8 =	sld [smem:$0x3FB2]  }
0x2e: {  	s3 =	simm.s32 @!p0 $0x1082;
	s9 =	sld [smem:$0x3FB3]  }
0x2f: {  	lr =	sadd.s32 s0, s3;
	s0 =	sld [smem:$0x3FAA]  }
0x30: {  	s3 =	sld [smem:$0x3FAD]  }
0x31: {  	[smem:$0x3FB6] =	sst s10  }
0x32: {  	s10 =	sld [smem:$0x3FB4];
	_ =	sdelay $0x3  }
0x33: {  	p0 =	seq.s32 s10, $0x1;
	s10 =	sld [smem:$0x3FB6];
	_ =	sdelay $0x3  }
0x34: {  	[smem:$0x3FB6] =	sst s10  }
0x35: {  	s10 =	sld [smem:$0x3FB5];
	_ =	sdelay $0x3  }
0x36: {  	p1 =	seq.s32 s10, $0x1;
	s10 =	sld [smem:$0x3FB6];
	_ =	sdelay $0x3  }
0x37: {  	[smem:$0x3FB6] =	sst s10  }
0x38: {  	s10 =	sld [smem:$0x3FB7]  }
0x39: {  	_ = 	snop;
	(pc) =	sbr.ind lr, $3  }
0x3a: {  	_ = 	snop  }
0x3b: {  	_ = 	snop  }
0x3c: {  	p2 =	seq.s32 s10, $0x1;
	s10 =	sld [smem:$0x3FB6]  }
0x3d: {  	_ =	shalt  }
0x3e: {  	_ =	shalt  }
0x3f: {  	_ =	shalt  }
0x40: {  	_ =	shalt  }
0x41: {  	_ =	shalt  }
0x42: {  	_ =	shalt  }
0x43: {  	_ =	shalt  }
0x44: {  	_ =	shalt  }
0x45: {  	_ =	shalt  }
0x46: {  	_ =	shalt  }
0x47: {  	_ =	shalt  }
0x48: {  	_ =	shalt  }
0x49: {  	_ =	shalt  }
0x4a: {  	_ =	shalt  }
0x4b: {  	_ =	shalt  }
0x4c: {  	_ =	shalt  }
0x4d: {  	_ =	shalt  }
0x4e: {  	_ =	shalt  }
0x4f: {  	_ =	shalt  }
0x50: {  	_ =	shalt  }
0x51: {  	_ =	shalt  }
0x52: {  	_ =	shalt  }
0x53: {  	_ =	shalt  }
0x54: {  	_ =	shalt  }
0x55: {  	_ =	shalt  }
0x56: {  	_ =	shalt  }
0x57: {  	_ =	shalt  }
0x58: {  	_ =	shalt  }
0x59: {  	_ =	shalt  }
0x5a: {  	_ =	shalt  }
0x5b: {  	_ =	shalt  }
0x5c: {  	_ =	shalt  }
0x5d: {  	_ =	shalt  }
0x5e: {  	_ =	shalt  }
0x5f: {  	_ =	shalt  }
0x60: {  	_ =	shalt  }
0x61: {  	_ =	shalt  }
0x62: {  	_ =	shalt  }
0x63: {  	_ =	shalt  }
0x64: {  	_ =	shalt  }
0x65: {  	_ =	shalt  }
0x66: {  	_ =	shalt  }
0x67: {  	_ =	shalt  }
0x68: {  	_ =	shalt  }
0x69: {  	_ =	shalt  }
0x6a: {  	_ =	shalt  }
0x6b: {  	_ =	shalt  }
0x6c: {  	_ =	shalt  }
0x6d: {  	_ =	shalt  }
0x6e: {  	_ =	shalt  }
0x6f: {  	_ =	shalt  }
0x70: {  	_ =	shalt  }
0x71: {  	_ =	shalt  }
0x72: {  	_ =	shalt  }
0x73: {  	_ =	shalt  }
0x74: {  	_ =	shalt  }
0x75: {  	_ =	shalt  }
0x76: {  	_ =	shalt  }
0x77: {  	_ =	shalt  }
0x78: {  	_ =	shalt  }
0x79: {  	_ =	shalt  }
0x7a: {  	_ =	shalt  }
0x7b: {  	_ =	shalt  }
0x7c: {  	_ =	shalt  }
0x7d: {  	_ =	shalt  }
0x7e: {  	_ =	shalt  }
0x7f: {  	_ =	shalt  }
0x80: {  	_ =	shalt  }
0x81: {  	_ =	shalt  }
0x82: {  	_ =	shalt  }
0x83: {  	_ =	shalt  }
0x84: {  	_ =	shalt  }
0x85: {  	_ =	shalt  }
0x86: {  	_ =	shalt  }
0x87: {  	_ =	shalt  }
.Lfunc_end0:
.L_simem_size_0:
called_computation_lowered:
.L_overlay_start_0:
0x88: {  	s2 =	sld [smem:$0x3FD9]  }
0x89: {  	s3 =	sld [smem:$0x3FFE];
	_ =	sdelay $0x1  }
0x8a: {  	s1 =	srdreg.scid  }
0x8b: {  	s0 =	sand.u32 $0x1, s1  }
0x8c: {  	s17 =	sshll.u32 s0, $0xA;
	s2 =	sadd.s32 s3, s2  }
0x8d: {  	s2 =	sadd.s32 s2, s17  }
0x8e: {  	[smem:$0x3FC2] =	sst s2  }
0x8f: {  	_ = 	snop  }
0x90: {  	s2 =	sld [smem:$0x3FC8]  }
0x91: {  	s18 =	sld [smem:$0x3FC7]  }
0x92: {  	s4 =	sld [smem:$0x3FC6]  }
0x93: {  	s5 =	sld [smem:$0x3FD0];
	(tm) =	ssettm $0x1  }
0x94: {  	s6 =	sld [smem:$0x3FFB];
	_ =	sdelay $0x3  }
0x95: {  	_ =	strace s6  }
0x96: {  	s6 =	sld [smem:$0x3FFC];
	_ =	sdelay $0x3  }
0x97: {  	_ =	strace s6  }
0x98: {  	s6 =	sld [smem:$0x3FFD];
	_ =	sdelay $0x3  }
0x99: {  	_ =	strace s6  }
0x9a: {  	_ =	strace $0x8FFFFFFF  }
0x9b: {  	s19 =	sld [smem:$0x3FDB];
	_ =	sdelay $0x1  }
0x9c: {  	s7 =	simm.s32 $_scs_section_size  }
0x9d: {  	s8 =	simm.s32 $_size__tile_overlayer_lowered;
	s9 =	simm.s32 $_tile_overlayer_lowered  }
0x9e: {  	s22 =	simm.s32 $0x1BFF;
	s21 =	sshll.u32 s9, $0x1;
	s6 =	sadd.s32 s7, s19  }
0x9f: {  	s10 =	simm.s32 $0x0;
	s20 =	sshll.u32 s8, $0x1;
	s8 =	sadd.s32 s21, s6  }
0xa0: {  	[timem:s10], [sflag:s22] =	dma.local [hbm:s8], s20  }
0xa1: {  	_ =	swait.ge [sflag:s22], s20  }
0xa2: {  	s7 =	ssub.s32 $0x0, s20;
	[sflag:s22] =	ssyncset.done $0x0  }
0xa3: {  	[sflag:s22] =	ssyncadd.s32 s7;
	_ =	sdelay $0x1  }
0xa4: {  	s23 =	simm.s32 $0x1B8B  }
0xa5: {  	_ =	swait.ge [sflag:s23], $0x1  }
0xa6: {  	[sflag:s23] =	ssyncset.done $0x0  }
0xa7: {  	s25 =	simm.s32 $0x1B8E;
	s24 =	sld [smem:$0x3FFE];
	[sflag:s23] =	ssyncadd.s32 $0xFFFFFFFF  }
0xa8: {  	s26 =	simm.s32 $execute0_lowered;
	[smem:$0x3FD2] =	sst s25  }
0xa9: {  	s8 =	sshll.u32 s26, $0x1;
	_ =	strace $0x80000046;
	[dreg:$0x1] =	wrdreg $0xFFFFFFFF  }
0xaa: {  	s28 =	simm.s32 $_size_execute0_lowered;
	s6 =	sadd.s32 s6, s8;
	[dreg:$0x0] =	wrdreg $0x0  }
0xab: {  	s8 =	sshll.u32 s28, $0x1;
	[dreg:$0x2] =	wrdreg s6  }
0xac: {  	[dreg:$0x3] =	wrdreg s8  }
0xad: {  	[dreg:$0x4] =	wrdreg $0xC0  }
0xae: {  	_ =	task [dreg:s10], $0x5FFFF  }
0xaf: {  	[dreg:$0x1] =	wrdreg $0xFFFFFFFF  }
0xb0: {  	[dreg:$0x0] =	wrdreg $0x60  }
0xb1: {  	[dreg:$0x2] =	wrdreg s24  }
0xb2: {  	[dreg:$0x3] =	wrdreg s2  }
0xb3: {  	[dreg:$0x4] =	wrdreg s18  }
0xb4: {  	[dreg:$0x5] =	wrdreg s4  }
0xb5: {  	[dreg:$0x6] =	wrdreg s5  }
0xb6: {  	[dreg:$0x7] =	wrdreg $0x9  }
0xb7: {  	_ =	task.clear_ibuf [dreg:s10], $0x8FFFF;
	_ =	strace $0x90000046  }
0xb8: {  	s29 =	simm.s32 $0x9;
	_ =	strace $0x80000048  }
0xb9: {  	_ =	swait.ge [sflag:s29], $0x1  }
0xba: {  	[sflag:s29] =	ssyncadd.s32 $0xFFFFFFFF  }
0xbb: {  	_ =	strace $0x90000048  }
0xbc: {  	_ =	sfence  }
0xbd: {  	s30 =	sld [smem:$0x0];
	_ =	sdelay $0x2  }
0xbe: {  	s31 =	sshll.u32 s1, $0xD;
	s1 =	sshrl.u32 s1, $0x2  }
0xbf: {  	s3 =	sand.u32 $0x4000, s31;
	s1 =	sadd.s32 s1, s30  }
0xc0: {  	s0 =	sor.u32 s3, s0;
	s1 =	sshll.u32 s1, $0x11  }
0xc1: {  	s0 =	sor.u32 s1, s0  }
0xc2: {  	s0 =	sadd.s32 $0x8F2B, s0  }
0xc3: {  	[sflag:s0] =	ssyncadd.remote.s32 $0x1  }
0xc4: {  	_ =	sfence.sel $0xFFFF  }
0xc5: {  	[dreg:$0x0] =	wrdreg $0xFFFFFFFF;
	(pc) =	sbr.abs _section_cstart, $3  }
0xc6: {  	[dreg:$0x1] =	wrdreg $0xFFFFFFFF  }
0xc7: {  	_ =	task.clear_ibuf [dreg:s10], $0x2FFFF;
	_ =	strace $0x9FFFFFFF  }
0xc8: {  	(tm) =	ssettm $0x7FFFFFFF  }
0xc9: {  	_ =	shalt  }
tec
execute0_lowered:
.L_overlay_start_1:
0x0: {  	(tag) =	ssettag $0x1  }
0x1: {  	s0 =	rddreg [dreg:$0x0]  }
0x2: {  	s1 =	rddreg [dreg:$0x1]  }
0x3: {  	s7 =	rddreg [dreg:$0x2]  }
0x4: {  	s8 =	rddreg [dreg:$0x3]  }
0x5: {  	s9 =	rddreg [dreg:$0x4]  }
0x6: {  	s2 =	srdreg.scid;
	s4 =	stileid.u32;
	s14 =	simm.s32 $0x2  }
0x7: {  	s15 =	simm.s32 $0x80;
	s16 =	simm.s32 $0x10800;
	s19 =	simm.s32 $0x10880  }
0x8: {  	s22 =	simm.s32 $0x10900;
	s24 =	simm.s32 $0x10100;
	s28 =	simm.s32 $0x10180  }
0x9: {  	s29 =	simm.s32 $0x1;
	s30 =	simm.s32 $0x4;
	s31 =	simm.s32 $0x3  }
0xa: {  	s12 =	simm.s32 $0x0;
	s3 =	sand.u32 $0x1, s2;
	s2 =	simm.s32 $0x0  }
0xb: {  	v0 =	vlaneseq.u32;
	s4 =	sshll.u32 s4, $0xA;
	s5 =	sshll.u32 s3, $0x9;
	[smem:$0x7FF] =	sst s2  }
0xc: {  	v0 =	vmul.u32 $0x10, v0;
	s6 =	ssub.s32 $0x2, s3;
	s3 =	sadd.s32 $0x186A800, s0;
	s5 =	sor.u32 s5, s4  }
0xd: {  	_ =	strace $0x80000047;
	s11 =	sshrl.u32 s6, $0x1;
	s4 =	sshll.u32 s5, $0x3  }
0xe: {  	v1 =	vor.u32 $0x1, v0;
	v2 =	vor.u32 $0x2, v0;
	v3 =	vor.u32 $0x3, v0;
	s25 =	ssub.s32 s6, s11;
	s26 =	sshrl.u32 s5, $0x3;
	s11 =	simm.s32 $0x5  }
0xf: {  	v4 =	vor.u32 $0x4, v0;
	v5 =	vor.u32 $0x5, v0;
	v6 =	vor.u32 $0x6, v0;
	s10 =	sadd.s32 s4, s0;
	s4 =	sadd.s32 $0x30DC00, s0;
	s6 =	sadd.s32 s1, s26  }
0x10: {  	v7 =	vor.u32 $0x7, v0;
	v8 =	vor.u32 $0x8, v0;
	v9 =	vor.u32 $0x9, v0;
	s7 =	sadd.s32 s7, s26;
	s8 =	sadd.s32 s8, s26;
	s9 =	sadd.s32 s9, s26  }
0x11: {  	v10 =	vor.u32 $0xA, v0;
	v11 =	vor.u32 $0xB, v0;
	v12 =	vor.u32 $0xC, v0;
	s26 =	simm.s32 $0xE000;
	s0 =	simm.s32 $0x10A00;
	s1 =	simm.s32 $0x10B00  }
0x12: {  	v13 =	vor.u32 $0xD, v0;
	v14 =	vor.u32 $0xE, v0;
	v15 =	vor.u32 $0xF, v0;
	s5 =	sadd.s32 $0x800, s10;
	s10 =	smax.u32 s25, $0x1;
	s25 =	simm.s32 $0x10980  }
.LBB2_1:
0x13: {  	[tilespmem:s2], [sflag:$0x1] =	stream.linear.gather [hbm4b:s5+s2], $0x8000, $0x38;
	[tilespmem:$0x10D00] =	vst v63  }
0x14: {  	s13 =	simm.s32 $0x10200  }
0x15: {  	[tilespmem:s13], [sflag:$0x2] =	stream.linear.gather [hbm4b:s6+s2], $0x200, $0x38;
	[tilespmem:$0x10D00] =	vst v63  }
0x16: {  	s21 =	simm.s32 $0x10400  }
0x17: {  	[tilespmem:s21], [sflag:$0x2] =	stream.linear.gather [hbm4b:s7+s2], $0x200, $0x38;
	[tilespmem:$0x10D00] =	vst v63  }
0x18: {  	s23 =	simm.s32 $0x10600  }
0x19: {  	[tilespmem:s23], [sflag:$0x2] =	stream.linear.gather [hbm4b:s8+s2], $0x200, $0x38;
	[tilespmem:$0x10D00] =	vst v63  }
0x1a: {  	_ =	swait.ge [sflag:s14], $0x200  }
0x1b: {  	[sflag:s14] =	ssyncset.done $0x0  }
0x1c: {  	[sflag:s14] =	ssyncadd.s32 $0xFFFFFE00  }
0x1d: {  	_ =	swait.ge [sflag:s14], $0x200  }
0x1e: {  	[sflag:s14] =	ssyncset.done $0x0  }
0x1f: {  	[sflag:s14] =	ssyncadd.s32 $0xFFFFFE00  }
0x20: {  	_ =	swait.ge [sflag:s14], $0x200  }
0x21: {  	[sflag:s14] =	ssyncset.done $0x0  }
0x22: {  	[sflag:s14] =	ssyncadd.s32 $0xFFFFFE00  }
0x23: {  	v16 =	vld [tilespmem:$0x10200]  }
0x24: {  	v17 =	vld [tilespmem:$0x10400]  }
0x25: {  	v18 =	vld [tilespmem:$0x10600]  }
0x26: {  	v19 =	vld [tilespmem:$0x10210]  }
0x27: {  	v20 =	vld [tilespmem:$0x10410]  }
0x28: {  	v21 =	vld [tilespmem:$0x10610]  }
0x29: {  	v22 =	vld [tilespmem:$0x10220]  }
0x2a: {  	v23 =	vld [tilespmem:$0x10420]  }
0x2b: {  	v24 =	vld [tilespmem:$0x10620]  }
0x2c: {  	v25 =	vld [tilespmem:$0x10230]  }
0x2d: {  	v26 =	vld [tilespmem:$0x10430]  }
0x2e: {  	v27 =	vld [tilespmem:$0x10630]  }
0x2f: {  	v28 =	vld [tilespmem:$0x10240]  }
0x30: {  	v29 =	vld [tilespmem:$0x10440]  }
0x31: {  	v30 =	vld [tilespmem:$0x10640]  }
0x32: {  	v31 =	vld [tilespmem:$0x10250]  }
0x33: {  	v32 =	vld [tilespmem:$0x10450]  }
0x34: {  	v33 =	vld [tilespmem:$0x10650]  }
0x35: {  	v34 =	vld [tilespmem:$0x10260]  }
0x36: {  	v35 =	vld [tilespmem:$0x10460]  }
0x37: {  	v36 =	vld [tilespmem:$0x10660]  }
0x38: {  	v37 =	vld [tilespmem:$0x10270]  }
0x39: {  	v38 =	vld [tilespmem:$0x10470]  }
0x3a: {  	v39 =	vld [tilespmem:$0x10670]  }
0x3b: {  	v40 =	vld [tilespmem:$0x10280]  }
0x3c: {  	v41 =	vld [tilespmem:$0x10480]  }
0x3d: {  	v42 =	vld [tilespmem:$0x10680]  }
0x3e: {  	v43 =	vld [tilespmem:$0x10290]  }
0x3f: {  	v44 =	vld [tilespmem:$0x10490]  }
0x40: {  	v45 =	vld [tilespmem:$0x10690]  }
0x41: {  	v46 =	vld [tilespmem:$0x102A0]  }
0x42: {  	v47 =	vld [tilespmem:$0x104A0]  }
0x43: {  	v48 =	vld [tilespmem:$0x106A0]  }
0x44: {  	v49 =	vld [tilespmem:$0x102B0]  }
0x45: {  	v50 =	vld [tilespmem:$0x104B0]  }
0x46: {  	v51 =	vld [tilespmem:$0x106B0]  }
0x47: {  	v52 =	vld [tilespmem:$0x102C0]  }
0x48: {  	v53 =	vld [tilespmem:$0x104C0];
	v17 =	vshll.u32 v17, $0x3;
	v16 =	vshll.u32 v16, $0x4  }
0x49: {  	v54 =	vld [tilespmem:$0x102D0];
	v18 =	vand.u32 $0x7, v18;
	v19 =	vshll.u32 v19, $0x4;
	v21 =	vand.u32 $0x7, v21  }
0x4a: {  	v22 =	vshll.u32 v22, $0x4;
	v24 =	vand.u32 $0x7, v24;
	v57 =	vshll.u32 v29, $0x3;
	v29 =	vld [tilespmem:$0x102F0]  }
0x4b: {  	v25 =	vshll.u32 v25, $0x4;
	v27 =	vand.u32 $0x7, v27;
	v58 =	vshll.u32 v32, $0x3;
	v32 =	vld [tilespmem:$0x106F0]  }
0x4c: {  	v28 =	vshll.u32 v28, $0x4;
	v30 =	vand.u32 $0x7, v30;
	v59 =	vshll.u32 v35, $0x3;
	v35 =	vld [tilespmem:$0x10500]  }
0x4d: {  	v31 =	vshll.u32 v31, $0x4;
	v33 =	vand.u32 $0x7, v33;
	v60 =	vshll.u32 v38, $0x3;
	v38 =	vld [tilespmem:$0x10310]  }
0x4e: {  	v34 =	vshll.u32 v34, $0x4;
	v36 =	vand.u32 $0x7, v36;
	v61 =	vshll.u32 v41, $0x3;
	v41 =	vld [tilespmem:$0x10710]  }
0x4f: {  	v37 =	vshll.u32 v37, $0x4;
	v39 =	vand.u32 $0x7, v39;
	v62 =	vshll.u32 v44, $0x3;
	v44 =	vld [tilespmem:$0x10520]  }
0x50: {  	v40 =	vshll.u32 v40, $0x4;
	v42 =	vand.u32 $0x7, v42;
	v63 =	vshll.u32 v47, $0x3;
	v47 =	vld [tilespmem:$0x10330]  }
0x51: {  	v43 =	vshll.u32 v43, $0x4;
	v55 =	vshll.u32 v50, $0x3;
	v50 =	vld [tilespmem:$0x10730];
	v17 =	vand.u32 $0x8, v17  }
0x52: {  	v45 =	vand.u32 $0x7, v45;
	v16 =	vor.u32 v16, v17;
	v17 =	vshll.u32 v20, $0x3;
	v20 =	vld [tilespmem:$0x106C0]  }
0x53: {  	v17 =	vand.u32 $0x8, v17;
	v16 =	vor.u32 v18, v16;
	v18 =	vshll.u32 v23, $0x3;
	v23 =	vld [tilespmem:$0x106D0]  }
0x54: {  	v46 =	vshll.u32 v46, $0x4;
	v17 =	vor.u32 v19, v17;
	v19 =	vld [tilespmem:$0x104D0];
	v18 =	vand.u32 $0x8, v18  }
0x55: {  	v48 =	vand.u32 $0x7, v48;
	v49 =	vshll.u32 v49, $0x4;
	v18 =	vor.u32 v22, v18;
	v22 =	vld [tilespmem:$0x102E0]  }
0x56: {  	v56 =	vshll.u32 v53, $0x3;
	v17 =	vor.u32 v21, v17;
	v21 =	vshll.u32 v26, $0x3;
	v26 =	vld [tilespmem:$0x104E0]  }
0x57: {  	v21 =	vand.u32 $0x8, v21;
	v18 =	vor.u32 v24, v18;
	v24 =	vand.u32 $0x8, v57;
	v57 =	vld [tilespmem:$0x10540]  }
0x58: {  	v51 =	vand.u32 $0x7, v51;
	v52 =	vshll.u32 v52, $0x4;
	v21 =	vor.u32 v25, v21;
	v25 =	vld [tilespmem:$0x106E0]  }
0x59: {  	v32 =	vand.u32 $0x7, v32;
	v50 =	vand.u32 $0x7, v50;
	v24 =	vor.u32 v28, v24;
	v28 =	vld [tilespmem:$0x104F0]  }
0x5a: {  	v21 =	vor.u32 v27, v21;
	v27 =	vand.u32 $0x8, v58;
	v58 =	vshll.u32 v54, $0x4;
	v54 =	vld [tilespmem:$0x10350]  }
0x5b: {  	v20 =	vand.u32 $0x7, v20;
	v24 =	vor.u32 v30, v24;
	v30 =	vand.u32 $0x8, v59;
	v59 =	vld [tilespmem:$0x10550]  }
0x5c: {  	[tilespmem:$0x10820] =	vst v18;
	v18 =	vand.u32 $0x7, v41;
	v23 =	vand.u32 $0x7, v23;
	v27 =	vor.u32 v31, v27;
	v31 =	vld [tilespmem:$0x10300]  }
0x5d: {  	v30 =	vor.u32 v34, v30;
	v34 =	vld [tilespmem:$0x10700];
	v19 =	vshll.u32 v19, $0x3;
	v27 =	vor.u32 v33, v27  }
0x5e: {  	v33 =	vand.u32 $0x8, v60;
	v30 =	vor.u32 v36, v30;
	v60 =	vshll.u32 v29, $0x4;
	v29 =	vld [tilespmem:$0x10560]  }
0x5f: {  	v36 =	vand.u32 $0x8, v61;
	v19 =	vand.u32 $0x8, v19;
	v61 =	vshll.u32 v35, $0x3;
	v35 =	vld [tilespmem:$0x10370]  }
0x60: {  	v26 =	vshll.u32 v26, $0x3;
	v22 =	vshll.u32 v22, $0x4;
	v33 =	vor.u32 v37, v33;
	v37 =	vld [tilespmem:$0x10510]  }
0x61: {  	v36 =	vor.u32 v40, v36;
	v40 =	vld [tilespmem:$0x10320];
	v19 =	vor.u32 v58, v19;
	v26 =	vand.u32 $0x8, v26  }
0x62: {  	[tilespmem:$0x10850] =	vst v27;
	v27 =	vld [tilespmem:$0x10590];
	v33 =	vor.u32 v39, v33;
	v39 =	vand.u32 $0x8, v62;
	v36 =	vor.u32 v42, v36  }
0x63: {  	v42 =	vand.u32 $0x8, v63;
	v19 =	vor.u32 v23, v19;
	v22 =	vor.u32 v22, v26;
	v26 =	vld [tilespmem:$0x10360]  }
0x64: {  	v23 =	vshll.u32 v28, $0x3;
	v25 =	vand.u32 $0x7, v25;
	v28 =	vld [tilespmem:$0x10760];
	v63 =	vshll.u32 v38, $0x4  }
0x65: {  	v38 =	vshll.u32 v44, $0x3;
	v39 =	vor.u32 v43, v39;
	v43 =	vld [tilespmem:$0x10720];
	v42 =	vor.u32 v46, v42  }
0x66: {  	v46 =	vld [tilespmem:$0x10530];
	v23 =	vand.u32 $0x8, v23;
	v22 =	vor.u32 v25, v22;
	v25 =	vand.u32 $0x8, v61  }
0x67: {  	v61 =	vld [tilespmem:$0x107A0];
	v39 =	vor.u32 v45, v39;
	v45 =	vand.u32 $0x8, v55;
	v42 =	vor.u32 v48, v42  }
0x68: {  	v48 =	vand.u32 $0x8, v56;
	v23 =	vor.u32 v60, v23;
	v31 =	vshll.u32 v31, $0x4;
	v55 =	vld [tilespmem:$0x10790]  }
0x69: {  	[tilespmem:$0x10800] =	vst v16;
	v16 =	vand.u32 $0x7, v34;
	v56 =	vshll.u32 v59, $0x3;
	v59 =	vshll.u32 v54, $0x4;
	v60 =	vld [tilespmem:$0x105A0]  }
0x6a: {  	v45 =	vor.u32 v49, v45;
	v49 =	vld [tilespmem:$0x10340];
	v48 =	vor.u32 v52, v48;
	v23 =	vor.u32 v32, v23  }
0x6b: {  	[tilespmem:$0x10860] =	vst v30;
	v52 =	vld [tilespmem:$0x10750];
	v25 =	vor.u32 v31, v25;
	v30 =	vand.u32 $0x8, v56;
	v29 =	vshll.u32 v29, $0x3  }
0x6c: {  	v32 =	vld [tilespmem:$0x10570];
	v45 =	vor.u32 v51, v45;
	v20 =	vor.u32 v20, v48;
	v62 =	vshll.u32 v37, $0x3  }
0x6d: {  	[tilespmem:$0x10810] =	vst v17;
	v51 =	vld [tilespmem:$0x10740];
	v16 =	vor.u32 v16, v25;
	v41 =	vshll.u32 v40, $0x4;
	v25 =	vand.u32 $0x8, v38  }
0x6e: {  	v37 =	vld [tilespmem:$0x10770];
	v30 =	vor.u32 v59, v30;
	v29 =	vand.u32 $0x8, v29;
	[tilespmem:$0x108F0] =	vst v23;
	v23 =	vshll.u32 v27, $0x3  }
0x6f: {  	v38 =	vld [tilespmem:$0x10580];
	v31 =	vand.u32 $0x8, v62;
	v26 =	vshll.u32 v26, $0x4;
	[tilespmem:$0x108C0] =	vst v20;
	v20 =	vand.u32 $0x7, v28  }
0x70: {  	v40 =	vld [tilespmem:$0x10390];
	[tilespmem:$0x108B0] =	vst v45;
	v45 =	vshll.u32 v35, $0x4;
	v23 =	vand.u32 $0x8, v23;
	v17 =	vor.u32 v63, v31  }
0x71: {  	[tilespmem:$0x10830] =	vst v21;
	v48 =	vld [tilespmem:$0x103C0];
	v21 =	vshll.u32 v46, $0x3;
	v44 =	vand.u32 $0x7, v43;
	v46 =	vshll.u32 v47, $0x4  }
0x72: {  	v31 =	vld [tilespmem:$0x10380];
	v47 =	vshll.u32 v57, $0x3;
	v26 =	vor.u32 v26, v29;
	v56 =	vand.u32 $0x7, v61  }
0x73: {  	[tilespmem:$0x10840] =	vst v24;
	v57 =	vld [tilespmem:$0x103A0];
	v17 =	vor.u32 v18, v17;
	v18 =	vor.u32 v41, v25;
	v21 =	vand.u32 $0x8, v21  }
0x74: {  	[tilespmem:$0x108D0] =	vst v19;
	v63 =	vld [tilespmem:$0x103B0];
	v24 =	vand.u32 $0x8, v47;
	v19 =	vor.u32 v20, v26;
	v18 =	vor.u32 v44, v18  }
0x75: {  	[tilespmem:$0x10870] =	vst v33;
	v61 =	vld [tilespmem:$0x105F0];
	v21 =	vor.u32 v46, v21;
	v53 =	vshll.u32 v49, $0x4;
	v62 =	vand.u32 $0x7, v52  }
0x76: {  	[tilespmem:$0x108A0] =	vst v42;
	v25 =	vld [tilespmem:$0x10780];
	v42 =	vshll.u32 v32, $0x3;
	v21 =	vor.u32 v50, v21;
	v24 =	vor.u32 v53, v24  }
0x77: {  	[tilespmem:$0x10880] =	vst v36;
	v44 =	vld [tilespmem:$0x105B0];
	v58 =	vand.u32 $0x7, v51;
	v30 =	vor.u32 v62, v30;
	v29 =	vand.u32 $0x8, v42  }
0x78: {  	[tilespmem:$0x108E0] =	vst v22;
	v46 =	vld [tilespmem:$0x107B0];
	v47 =	vshll.u32 v38, $0x3;
	v22 =	vand.u32 $0x7, v37;
	v52 =	vshll.u32 v40, $0x4  }
0x79: {  	v50 =	vld [tilespmem:$0x105C0];
	[tilespmem:$0x10920] =	vst v18;
	v18 =	vand.u32 $0x7, v55;
	v28 =	vshll.u32 v48, $0x4;
	v24 =	vor.u32 v58, v24  }
0x7a: {  	[tilespmem:$0x10910] =	vst v17;
	v51 =	vld [tilespmem:$0x107C0];
	v20 =	vor.u32 v45, v29;
	v26 =	vand.u32 $0x8, v47;
	v17 =	vor.u32 v52, v23  }
0x7b: {  	[tilespmem:$0x10890] =	vst v39;
	v53 =	vld [tilespmem:$0x103D0];
	v49 =	vshll.u32 v31, $0x4;
	v20 =	vor.u32 v22, v20;
	v54 =	vshll.u32 v57, $0x4  }
0x7c: {  	[tilespmem:$0x10900] =	vst v16;
	v23 =	vld [tilespmem:$0x105D0];
	v17 =	vor.u32 v18, v17;
	v22 =	vor.u32 v49, v26;
	v16 =	vand.u32 $0x7, v25  }
0x7d: {  	[tilespmem:$0x10960] =	vst v19;
	v55 =	vld [tilespmem:$0x107D0];
	v57 =	vshll.u32 v63, $0x4;
	v16 =	vor.u32 v16, v22;
	v22 =	vshll.u32 v60, $0x3  }
0x7e: {  	[tilespmem:$0x10930] =	vst v21;
	v58 =	vld [tilespmem:$0x105E0];
	v21 =	vshll.u32 v44, $0x3;
	v19 =	vand.u32 $0x7, v46;
	v22 =	vand.u32 $0x8, v22  }
0x7f: {  	v60 =	vld [tilespmem:$0x107E0];
	v21 =	vand.u32 $0x8, v21;
	v59 =	vshll.u32 v50, $0x3;
	[tilespmem:$0x10980] =	vst v16;
	v16 =	vand.u32 $0x7, v51  }
0x80: {  	[tilespmem:$0x10940] =	vst v24;
	v62 =	vshll.u32 v53, $0x4;
	v18 =	vor.u32 v54, v22;
	v22 =	vld [tilespmem:$0x103E0];
	v21 =	vor.u32 v57, v21  }
0x81: {  	[tilespmem:$0x10970] =	vst v20;
	v24 =	vand.u32 $0x8, v59;
	v19 =	vor.u32 v19, v21;
	v21 =	vshll.u32 v23, $0x3;
	v23 =	vld [tilespmem:$0x103F0]  }
0x82: {  	v63 =	vld [tilespmem:$0x107F0];
	[tilespmem:$0x10990] =	vst v17;
	v18 =	vor.u32 v56, v18;
	v20 =	vor.u32 v28, v24;
	v21 =	vand.u32 $0x8, v21  }
0x83: {  	v16 =	vor.u32 v16, v20;
	v20 =	vshll.u32 v58, $0x3;
	[tilespmem:$0x109A0] =	vst v18;
	v18 =	vand.u32 $0x7, v55  }
0x84: {  	[tilespmem:$0x109B0] =	vst v19;
	v19 =	vshll.u32 v61, $0x3;
	v17 =	vor.u32 v62, v21;
	v20 =	vand.u32 $0x8, v20  }
0x85: {  	[tilespmem:$0x109C0] =	vst v16;
	v16 =	vand.u32 $0x7, v60;
	v19 =	vand.u32 $0x8, v19;
	v21 =	vshll.u32 v22, $0x4  }
0x86: {  	[tilespmem:$0x10950] =	vst v30;
	v17 =	vor.u32 v18, v17;
	v18 =	vor.u32 v21, v20;
	v20 =	vshll.u32 v23, $0x4  }
0x87: {  	[tilespmem:$0x109D0] =	vst v17;
	v16 =	vor.u32 v16, v18;
	v17 =	vor.u32 v20, v19;
	v18 =	vand.u32 $0x7, v63  }
0x88: {  	[tilespmem:$0x109E0] =	vst v16;
	v16 =	vor.u32 v18, v17  }
0x89: {  	s17 =	simm.s32 $0x8000;
	[tilespmem:$0x109F0] =	vst v16  }
0x8a: {  	[tilespmem:s17], [sflag:$0x4] =	stream.indirect.gather [hbm4b:s3+s15], $0x40, s16, s15, $0xb8;
	[tilespmem:$0x10D00] =	vst v63  }
0x8b: {  	s18 =	simm.s32 $0x10000  }
0x8c: {  	[tilespmem:s18], [sflag:$0x3] =	stream.indirect.gather [hbm4b:s4+s15], $0x1, s16, s15, $0xb8;
	[tilespmem:$0x10D00] =	vst v63  }
0x8d: {  	s20 =	simm.s32 $0xA000  }
0x8e: {  	[tilespmem:s20], [sflag:$0x4] =	stream.indirect.gather [hbm4b:s3+s15], $0x40, s19, s15, $0xb8;
	[tilespmem:$0x10D00] =	vst v63  }
0x8f: {  	s21 =	simm.s32 $0x10080  }
0x90: {  	[tilespmem:s21], [sflag:$0x3] =	stream.indirect.gather [hbm4b:s4+s15], $0x1, s19, s15, $0xb8;
	[tilespmem:$0x10D00] =	vst v63  }
0x91: {  	s23 =	simm.s32 $0xC000  }
0x92: {  	[tilespmem:s23], [sflag:$0x4] =	stream.indirect.gather [hbm4b:s3+s15], $0x40, s22, s15, $0xb8;
	[tilespmem:$0x10D00] =	vst v63  }
0x93: {  	_ = 	snop  }
0x94: {  	[tilespmem:s24], [sflag:$0x3] =	stream.indirect.gather [hbm4b:s4+s15], $0x1, s22, s15, $0xb8;
	[tilespmem:$0x10D00] =	vst v63  }
0x95: {  	_ = 	snop  }
0x96: {  	[tilespmem:s26], [sflag:$0x4] =	stream.indirect.gather [hbm4b:s3+s15], $0x40, s25, s15, $0xb8;
	[tilespmem:$0x10D00] =	vst v63  }
0x97: {  	_ = 	snop  }
0x98: {  	[tilespmem:s28], [sflag:$0x3] =	stream.indirect.gather [hbm4b:s4+s15], $0x1, s25, s15, $0xb8;
	[tilespmem:$0x10D00] =	vst v63  }
0x99: {  	_ =	swait.ge [sflag:s29], $0x8000  }
0x9a: {  	[sflag:s29] =	ssyncset.done $0x0  }
0x9b: {  	[sflag:s29] =	ssyncadd.s32 $0xFFFF8000  }
0x9c: {  	_ =	swait.ge [sflag:s30], $0x2000  }
0x9d: {  	[sflag:s30] =	ssyncset.done $0x0  }
0x9e: {  	[sflag:s30] =	ssyncadd.s32 $0xFFFFE000  }
0x9f: {  	_ =	swait.ge [sflag:s31], $0x80  }
0xa0: {  	[sflag:s31] =	ssyncset.done $0x0  }
0xa1: {  	[sflag:s31] =	ssyncadd.s32 $0xFFFFFF80  }
0xa2: {  	_ =	swait.ge [sflag:s30], $0x2000  }
0xa3: {  	[sflag:s30] =	ssyncset.done $0x0  }
0xa4: {  	[sflag:s30] =	ssyncadd.s32 $0xFFFFE000  }
0xa5: {  	_ =	swait.ge [sflag:s31], $0x80  }
0xa6: {  	[sflag:s31] =	ssyncset.done $0x0  }
0xa7: {  	[sflag:s31] =	ssyncadd.s32 $0xFFFFFF80  }
0xa8: {  	_ =	swait.ge [sflag:s30], $0x2000  }
0xa9: {  	[sflag:s30] =	ssyncset.done $0x0  }
0xaa: {  	[sflag:s30] =	ssyncadd.s32 $0xFFFFE000  }
0xab: {  	_ =	swait.ge [sflag:s31], $0x80  }
0xac: {  	[sflag:s31] =	ssyncset.done $0x0  }
0xad: {  	[sflag:s31] =	ssyncadd.s32 $0xFFFFFF80  }
0xae: {  	_ =	swait.ge [sflag:s30], $0x2000  }
0xaf: {  	[sflag:s30] =	ssyncset.done $0x0  }
0xb0: {  	[sflag:s30] =	ssyncadd.s32 $0xFFFFE000  }
0xb1: {  	_ =	swait.ge [sflag:s31], $0x80  }
0xb2: {  	[sflag:s31] =	ssyncset.done $0x0  }
0xb3: {  	s13 =	simm.s32 $0x8200;
	[sflag:s31] =	ssyncadd.s32 $0xFFFFFF80  }
0xb4: {  	s17 =	simm.s32 $0x200;
	v16 =	vld [tilespmem:s13+$0xFFFFFE00]  }
0xb5: {  	v17 =	vld [tilespmem:s17+$0xFFFFFE10]  }
0xb6: {  	v18 =	vld [tilespmem:s13+$0xFFFFFE10]  }
0xb7: {  	v19 =	vld [tilespmem:s17+$0xFFFFFE00]  }
0xb8: {  	v20 =	vld [tilespmem:s17+$0xFFFFFE20]  }
0xb9: {  	v21 =	vld [tilespmem:s13+$0xFFFFFE20]  }
0xba: {  	v22 =	vld [tilespmem:s17+$0xFFFFFE30]  }
0xbb: {  	v23 =	vld [tilespmem:s13+$0xFFFFFE30]  }
0xbc: {  	v17 =	vmul.f32 v17, v18;
	v16 =	vmul.f32 v19, v16;
	_ =	sdelay $0x1  }
0xbd: {  	v16 =	vadd.f32 v17, v16;
	v17 =	vmul.f32 v20, v21;
	_ =	sdelay $0x1  }
0xbe: {  	v16 =	vadd.f32 v17, v16;
	v17 =	vmul.f32 v22, v23;
	_ =	sdelay $0x1  }
0xbf: {  	v16 =	vadd.f32 v17, v16;
	_ =	sdelay $0x1  }
0xc0: {  	[tilespmem:$0x10A00] =	vst v16  }
0xc1: {  	v16 =	vld [tilespmem:s17+$0xFFFFFE50]  }
0xc2: {  	v17 =	vld [tilespmem:s13+$0xFFFFFE40]  }
0xc3: {  	v18 =	vld [tilespmem:s13+$0xFFFFFE50]  }
0xc4: {  	v19 =	vld [tilespmem:s17+$0xFFFFFE40]  }
0xc5: {  	v20 =	vld [tilespmem:s17+$0xFFFFFE60]  }
0xc6: {  	v21 =	vld [tilespmem:s13+$0xFFFFFE60]  }
0xc7: {  	v22 =	vld [tilespmem:s17+$0xFFFFFE70]  }
0xc8: {  	v23 =	vld [tilespmem:s13+$0xFFFFFE70]  }
0xc9: {  	v16 =	vmul.f32 v16, v18;
	v17 =	vmul.f32 v19, v17;
	_ =	sdelay $0x1  }
0xca: {  	v16 =	vadd.f32 v16, v17;
	v17 =	vmul.f32 v20, v21;
	_ =	sdelay $0x1  }
0xcb: {  	v16 =	vadd.f32 v17, v16;
	v17 =	vmul.f32 v22, v23;
	_ =	sdelay $0x1  }
0xcc: {  	v16 =	vadd.f32 v17, v16;
	_ =	sdelay $0x1  }
0xcd: {  	[tilespmem:$0x10A10] =	vst v16  }
0xce: {  	v16 =	vld [tilespmem:s13+$0xFFFFFE80]  }
0xcf: {  	v17 =	vld [tilespmem:s17+$0xFFFFFE80]  }
0xd0: {  	v18 =	vld [tilespmem:s17+$0xFFFFFE90]  }
0xd1: {  	v19 =	vld [tilespmem:s13+$0xFFFFFE90]  }
0xd2: {  	v20 =	vld [tilespmem:s17+$0xFFFFFEA0]  }
0xd3: {  	v21 =	vld [tilespmem:s13+$0xFFFFFEA0]  }
0xd4: {  	v22 =	vld [tilespmem:s17+$0xFFFFFEB0]  }
0xd5: {  	v23 =	vld [tilespmem:s13+$0xFFFFFEB0]  }
0xd6: {  	v16 =	vmul.f32 v17, v16;
	v17 =	vmul.f32 v18, v19;
	_ =	sdelay $0x1  }
0xd7: {  	v16 =	vadd.f32 v17, v16;
	v17 =	vmul.f32 v20, v21;
	_ =	sdelay $0x1  }
0xd8: {  	v16 =	vadd.f32 v17, v16;
	v17 =	vmul.f32 v22, v23;
	_ =	sdelay $0x1  }
0xd9: {  	v16 =	vadd.f32 v17, v16;
	_ =	sdelay $0x1  }
0xda: {  	[tilespmem:$0x10A20] =	vst v16  }
0xdb: {  	v16 =	vld [tilespmem:s17+$0xFFFFFEC0]  }
0xdc: {  	v17 =	vld [tilespmem:s13+$0xFFFFFEC0]  }
0xdd: {  	v18 =	vld [tilespmem:s13+$0xFFFFFED0]  }
0xde: {  	v19 =	vld [tilespmem:s17+$0xFFFFFED0]  }
0xdf: {  	v20 =	vld [tilespmem:s17+$0xFFFFFEE0]  }
0xe0: {  	v21 =	vld [tilespmem:s13+$0xFFFFFEE0]  }
0xe1: {  	v22 =	vld [tilespmem:s17+$0xFFFFFEF0]  }
0xe2: {  	v23 =	vld [tilespmem:s13+$0xFFFFFEF0]  }
0xe3: {  	v16 =	vmul.f32 v16, v17;
	v17 =	vmul.f32 v19, v18;
	_ =	sdelay $0x1  }
0xe4: {  	v16 =	vadd.f32 v17, v16;
	v17 =	vmul.f32 v20, v21;
	_ =	sdelay $0x1  }
0xe5: {  	v16 =	vadd.f32 v17, v16;
	v17 =	vmul.f32 v22, v23;
	_ =	sdelay $0x1  }
0xe6: {  	v16 =	vadd.f32 v17, v16;
	_ =	sdelay $0x1  }
0xe7: {  	[tilespmem:$0x10A30] =	vst v16  }
0xe8: {  	v16 =	vld [tilespmem:s17+$0xFFFFFF10]  }
0xe9: {  	v17 =	vld [tilespmem:s13+$0xFFFFFF00]  }
0xea: {  	v18 =	vld [tilespmem:s17+$0xFFFFFF00]  }
0xeb: {  	v19 =	vld [tilespmem:s13+$0xFFFFFF10]  }
0xec: {  	v20 =	vld [tilespmem:s17+$0xFFFFFF20]  }
0xed: {  	v21 =	vld [tilespmem:s13+$0xFFFFFF20]  }
0xee: {  	v22 =	vld [tilespmem:s17+$0xFFFFFF30]  }
0xef: {  	v23 =	vld [tilespmem:s13+$0xFFFFFF30]  }
0xf0: {  	v17 =	vmul.f32 v18, v17;
	v16 =	vmul.f32 v16, v19;
	_ =	sdelay $0x1  }
0xf1: {  	v16 =	vadd.f32 v16, v17;
	v17 =	vmul.f32 v20, v21;
	_ =	sdelay $0x1  }
0xf2: {  	v16 =	vadd.f32 v17, v16;
	v17 =	vmul.f32 v22, v23;
	_ =	sdelay $0x1  }
0xf3: {  	v16 =	vadd.f32 v17, v16;
	_ =	sdelay $0x1  }
0xf4: {  	[tilespmem:$0x10A40] =	vst v16  }
0xf5: {  	v16 =	vld [tilespmem:s17+$0xFFFFFF50]  }
0xf6: {  	v17 =	vld [tilespmem:s13+$0xFFFFFF40]  }
0xf7: {  	v18 =	vld [tilespmem:s17+$0xFFFFFF40]  }
0xf8: {  	v19 =	vld [tilespmem:s13+$0xFFFFFF50]  }
0xf9: {  	v20 =	vld [tilespmem:s17+$0xFFFFFF60]  }
0xfa: {  	v21 =	vld [tilespmem:s13+$0xFFFFFF60]  }
0xfb: {  	v22 =	vld [tilespmem:s17+$0xFFFFFF70]  }
0xfc: {  	v23 =	vld [tilespmem:s13+$0xFFFFFF70]  }
0xfd: {  	v17 =	vmul.f32 v18, v17;
	v16 =	vmul.f32 v16, v19;
	_ =	sdelay $0x1  }
0xfe: {  	v16 =	vadd.f32 v16, v17;
	v17 =	vmul.f32 v20, v21;
	_ =	sdelay $0x1  }
0xff: {  	v16 =	vadd.f32 v17, v16;
	v17 =	vmul.f32 v22, v23;
	_ =	sdelay $0x1  }
0x100: {  	v16 =	vadd.f32 v17, v16;
	_ =	sdelay $0x1  }
0x101: {  	[tilespmem:$0x10A50] =	vst v16  }
0x102: {  	v16 =	vld [tilespmem:s17+$0xFFFFFF80]  }
0x103: {  	v17 =	vld [tilespmem:s17+$0xFFFFFF90]  }
0x104: {  	v18 =	vld [tilespmem:s13+$0xFFFFFF90]  }
0x105: {  	v19 =	vld [tilespmem:s13+$0xFFFFFF80]  }
0x106: {  	v20 =	vld [tilespmem:s17+$0xFFFFFFA0]  }
0x107: {  	v21 =	vld [tilespmem:s13+$0xFFFFFFA0]  }
0x108: {  	v22 =	vld [tilespmem:s17+$0xFFFFFFB0]  }
0x109: {  	v23 =	vld [tilespmem:s13+$0xFFFFFFB0]  }
0x10a: {  	v17 =	vmul.f32 v17, v18;
	v16 =	vmul.f32 v16, v19;
	_ =	sdelay $0x1  }
0x10b: {  	v16 =	vadd.f32 v17, v16;
	v17 =	vmul.f32 v20, v21;
	_ =	sdelay $0x1  }
0x10c: {  	v16 =	vadd.f32 v17, v16;
	v17 =	vmul.f32 v22, v23;
	_ =	sdelay $0x1  }
0x10d: {  	v16 =	vadd.f32 v17, v16;
	_ =	sdelay $0x1  }
0x10e: {  	[tilespmem:$0x10A60] =	vst v16  }
0x10f: {  	v16 =	vld [tilespmem:s17+$0xFFFFFFD0]  }
0x110: {  	v17 =	vld [tilespmem:s17+$0xFFFFFFC0]  }
0x111: {  	v18 =	vld [tilespmem:s13+$0xFFFFFFC0]  }
0x112: {  	v19 =	vld [tilespmem:s13+$0xFFFFFFD0]  }
0x113: {  	v20 =	vld [tilespmem:s17+$0xFFFFFFE0]  }
0x114: {  	v21 =	vld [tilespmem:s13+$0xFFFFFFE0]  }
0x115: {  	v22 =	vld [tilespmem:s17+$0xFFFFFFF0]  }
0x116: {  	v23 =	vld [tilespmem:s13+$0xFFFFFFF0]  }
0x117: {  	v17 =	vmul.f32 v17, v18;
	v16 =	vmul.f32 v16, v19;
	_ =	sdelay $0x1  }
0x118: {  	v16 =	vadd.f32 v16, v17;
	v17 =	vmul.f32 v20, v21;
	_ =	sdelay $0x1  }
0x119: {  	v16 =	vadd.f32 v17, v16;
	v17 =	vmul.f32 v22, v23;
	_ =	sdelay $0x1  }
0x11a: {  	v16 =	vadd.f32 v17, v16;
	_ =	sdelay $0x1  }
0x11b: {  	[tilespmem:$0x10A70] =	vst v16  }
0x11c: {  	v16 =	vld [tilespmem:s17+$0x0]  }
0x11d: {  	v17 =	vld [tilespmem:s17+$0x10]  }
0x11e: {  	v18 =	vld [tilespmem:s13+$0x0]  }
0x11f: {  	v19 =	vld [tilespmem:s13+$0x10]  }
0x120: {  	v20 =	vld [tilespmem:s17+$0x20]  }
0x121: {  	v21 =	vld [tilespmem:s13+$0x20]  }
0x122: {  	v22 =	vld [tilespmem:s17+$0x30]  }
0x123: {  	v23 =	vld [tilespmem:s13+$0x30]  }
0x124: {  	v16 =	vmul.f32 v16, v18;
	v17 =	vmul.f32 v17, v19;
	_ =	sdelay $0x1  }
0x125: {  	v16 =	vadd.f32 v17, v16;
	v17 =	vmul.f32 v20, v21;
	_ =	sdelay $0x1  }
0x126: {  	v16 =	vadd.f32 v17, v16;
	v17 =	vmul.f32 v22, v23;
	_ =	sdelay $0x1  }
0x127: {  	v16 =	vadd.f32 v17, v16;
	_ =	sdelay $0x1  }
0x128: {  	[tilespmem:$0x10A80] =	vst v16  }
0x129: {  	v16 =	vld [tilespmem:s17+$0x40]  }
0x12a: {  	v17 =	vld [tilespmem:s17+$0x50]  }
0x12b: {  	v18 =	vld [tilespmem:s13+$0x40]  }
0x12c: {  	v19 =	vld [tilespmem:s13+$0x50]  }
0x12d: {  	v20 =	vld [tilespmem:s13+$0x60]  }
0x12e: {  	v21 =	vld [tilespmem:s17+$0x60]  }
0x12f: {  	v22 =	vld [tilespmem:s13+$0x70]  }
0x130: {  	v23 =	vld [tilespmem:s17+$0x70]  }
0x131: {  	v16 =	vmul.f32 v16, v18;
	v17 =	vmul.f32 v17, v19;
	_ =	sdelay $0x1  }
0x132: {  	v16 =	vadd.f32 v17, v16;
	v17 =	vmul.f32 v21, v20;
	_ =	sdelay $0x1  }
0x133: {  	v16 =	vadd.f32 v17, v16;
	v17 =	vmul.f32 v23, v22;
	_ =	sdelay $0x1  }
0x134: {  	v16 =	vadd.f32 v17, v16;
	_ =	sdelay $0x1  }
0x135: {  	[tilespmem:$0x10A90] =	vst v16  }
0x136: {  	v16 =	vld [tilespmem:s17+$0x80]  }
0x137: {  	v17 =	vld [tilespmem:s17+$0x90]  }
0x138: {  	v18 =	vld [tilespmem:s13+$0x80]  }
0x139: {  	v19 =	vld [tilespmem:s13+$0x90]  }
0x13a: {  	v20 =	vld [tilespmem:s13+$0xA0]  }
0x13b: {  	v21 =	vld [tilespmem:s17+$0xA0]  }
0x13c: {  	v22 =	vld [tilespmem:s13+$0xB0]  }
0x13d: {  	v23 =	vld [tilespmem:s17+$0xB0]  }
0x13e: {  	v16 =	vmul.f32 v16, v18;
	v17 =	vmul.f32 v17, v19;
	_ =	sdelay $0x1  }
0x13f: {  	v16 =	vadd.f32 v17, v16;
	v17 =	vmul.f32 v21, v20;
	_ =	sdelay $0x1  }
0x140: {  	v16 =	vadd.f32 v17, v16;
	v17 =	vmul.f32 v23, v22;
	_ =	sdelay $0x1  }
0x141: {  	v16 =	vadd.f32 v17, v16;
	_ =	sdelay $0x1  }
0x142: {  	[tilespmem:$0x10AA0] =	vst v16  }
0x143: {  	v16 =	vld [tilespmem:s17+$0xC0]  }
0x144: {  	v17 =	vld [tilespmem:s17+$0xD0]  }
0x145: {  	v18 =	vld [tilespmem:s13+$0xC0]  }
0x146: {  	v19 =	vld [tilespmem:s13+$0xD0]  }
0x147: {  	v20 =	vld [tilespmem:s13+$0xE0]  }
0x148: {  	v21 =	vld [tilespmem:s17+$0xE0]  }
0x149: {  	v22 =	vld [tilespmem:s13+$0xF0]  }
0x14a: {  	v23 =	vld [tilespmem:s17+$0xF0]  }
0x14b: {  	v16 =	vmul.f32 v16, v18;
	v17 =	vmul.f32 v17, v19;
	_ =	sdelay $0x1  }
0x14c: {  	v16 =	vadd.f32 v17, v16;
	v17 =	vmul.f32 v21, v20;
	_ =	sdelay $0x1  }
0x14d: {  	v16 =	vadd.f32 v17, v16;
	v17 =	vmul.f32 v23, v22;
	_ =	sdelay $0x1  }
0x14e: {  	v16 =	vadd.f32 v17, v16;
	_ =	sdelay $0x1  }
0x14f: {  	[tilespmem:$0x10AB0] =	vst v16  }
0x150: {  	v16 =	vld [tilespmem:s17+$0x100]  }
0x151: {  	v17 =	vld [tilespmem:s17+$0x110]  }
0x152: {  	v18 =	vld [tilespmem:s13+$0x100]  }
0x153: {  	v19 =	vld [tilespmem:s13+$0x110]  }
0x154: {  	v20 =	vld [tilespmem:s13+$0x120]  }
0x155: {  	v21 =	vld [tilespmem:s17+$0x120]  }
0x156: {  	v22 =	vld [tilespmem:s13+$0x130]  }
0x157: {  	v23 =	vld [tilespmem:s17+$0x130]  }
0x158: {  	v16 =	vmul.f32 v16, v18;
	v17 =	vmul.f32 v17, v19;
	_ =	sdelay $0x1  }
0x159: {  	v16 =	vadd.f32 v17, v16;
	v17 =	vmul.f32 v21, v20;
	_ =	sdelay $0x1  }
0x15a: {  	v16 =	vadd.f32 v17, v16;
	v17 =	vmul.f32 v23, v22;
	_ =	sdelay $0x1  }
0x15b: {  	v16 =	vadd.f32 v17, v16;
	_ =	sdelay $0x1  }
0x15c: {  	[tilespmem:$0x10AC0] =	vst v16  }
0x15d: {  	v16 =	vld [tilespmem:s17+$0x140]  }
0x15e: {  	v17 =	vld [tilespmem:s17+$0x150]  }
0x15f: {  	v18 =	vld [tilespmem:s13+$0x140]  }
0x160: {  	v19 =	vld [tilespmem:s13+$0x150]  }
0x161: {  	v20 =	vld [tilespmem:s13+$0x160]  }
0x162: {  	v21 =	vld [tilespmem:s17+$0x160]  }
0x163: {  	v22 =	vld [tilespmem:s13+$0x170]  }
0x164: {  	v23 =	vld [tilespmem:s17+$0x170]  }
0x165: {  	v16 =	vmul.f32 v16, v18;
	v17 =	vmul.f32 v17, v19;
	_ =	sdelay $0x1  }
0x166: {  	v16 =	vadd.f32 v17, v16;
	v17 =	vmul.f32 v21, v20;
	_ =	sdelay $0x1  }
0x167: {  	v16 =	vadd.f32 v17, v16;
	v17 =	vmul.f32 v23, v22;
	_ =	sdelay $0x1  }
0x168: {  	v16 =	vadd.f32 v17, v16;
	_ =	sdelay $0x1  }
0x169: {  	[tilespmem:$0x10AD0] =	vst v16  }
0x16a: {  	v16 =	vld [tilespmem:s17+$0x180]  }
0x16b: {  	v17 =	vld [tilespmem:s17+$0x190]  }
0x16c: {  	v18 =	vld [tilespmem:s13+$0x190]  }
0x16d: {  	v19 =	vld [tilespmem:s13+$0x180]  }
0x16e: {  	v20 =	vld [tilespmem:s13+$0x1A0]  }
0x16f: {  	v21 =	vld [tilespmem:s17+$0x1A0]  }
0x170: {  	v22 =	vld [tilespmem:s13+$0x1B0]  }
0x171: {  	v23 =	vld [tilespmem:s17+$0x1B0]  }
0x172: {  	v17 =	vmul.f32 v17, v18;
	v16 =	vmul.f32 v16, v19;
	_ =	sdelay $0x1  }
0x173: {  	v16 =	vadd.f32 v17, v16;
	v17 =	vmul.f32 v21, v20;
	_ =	sdelay $0x1  }
0x174: {  	v16 =	vadd.f32 v17, v16;
	v17 =	vmul.f32 v23, v22;
	_ =	sdelay $0x1  }
0x175: {  	v16 =	vadd.f32 v17, v16;
	_ =	sdelay $0x1  }
0x176: {  	[tilespmem:$0x10AE0] =	vst v16  }
0x177: {  	v19 =	vld [tilespmem:s17+$0x1E0]  }
0x178: {  	v21 =	vld [tilespmem:s13+$0x1C0]  }
0x179: {  	v22 =	vld [tilespmem:s13+$0x1E0]  }
0x17a: {  	v23 =	vld [tilespmem:s17+$0x1C0]  }
0x17b: {  	v17 =	vld [tilespmem:s17+$0x1D0]  }
0x17c: {  	v20 =	vld [tilespmem:s13+$0x1D0];
	_ =	sdelay $0x1  }
0x17d: {  	v16 =	vld [tilespmem:s17+$0x1F0]  }
0x17e: {  	v18 =	vld [tilespmem:s13+$0x1F0]  }
0x17f: {  	s18 =	simm.s32 $0x0;
	s20 =	simm.s32 $0x40;
	v21 =	vmul.f32 v23, v21;
	v19 =	vmul.f32 v19, v22  }
.LBB2_2:
0x180: {  	p0 =	sne.s32 s20, $0x7C0;
	v17 =	vmul.f32 v17, v20;
	s13 =	sadd.s32 $0x400, s13;
	s17 =	sadd.s32 $0x400, s17  }
0x181: {  	s23 =	smov.u32 s20;
	s20 =	sadd.s32 $0x40, s20  }
0x182: {  	v17 =	vadd.f32 v17, v21  }
0x183: {  	v16 =	vmul.f32 v16, v18  }
0x184: {  	v17 =	vadd.f32 v19, v17;
	_ =	sdelay $0x1  }
0x185: {  	v16 =	vadd.f32 v16, v17;
	_ =	sdelay $0x1  }
0x186: {  	s21 =	sshra.s32 s18, $0x2;
	s18 =	smov.u32 s23;
	[tilespmem:$0x10AF0] =	vst v16  }
0x187: {  	v16 =	vld [tilespmem:s21+$0x10000]  }
0x188: {  	v17 =	vld.idx.msk [tilespmem:v0+s0+$0x0], $0xffff  }
0x189: {  	v18 =	vld.idx.msk [tilespmem:v1+s0+$0x0], $0xffff  }
0x18a: {  	v19 =	vld.idx.msk [tilespmem:v2+s0+$0x0], $0xffff  }
0x18b: {  	v20 =	vld.idx.msk [tilespmem:v3+s0+$0x0], $0xffff  }
0x18c: {  	v21 =	vld.idx.msk [tilespmem:v4+s0+$0x0], $0xffff  }
0x18d: {  	v22 =	vld.idx.msk [tilespmem:v5+s0+$0x0], $0xffff  }
0x18e: {  	v16 =	vadd.f32 v17, v16;
	v17 =	vld.idx.msk [tilespmem:v6+s0+$0x0], $0xffff  }
0x18f: {  	v23 =	vld.idx.msk [tilespmem:v7+s0+$0x0], $0xffff  }
0x190: {  	v16 =	vadd.f32 v18, v16;
	v18 =	vld.idx.msk [tilespmem:v8+s0+$0x0], $0xffff  }
0x191: {  	v24 =	vld.idx.msk [tilespmem:v9+s0+$0x0], $0xffff  }
0x192: {  	v16 =	vadd.f32 v19, v16;
	v19 =	vld.idx.msk [tilespmem:v10+s0+$0x0], $0xffff  }
0x193: {  	v25 =	vld.idx.msk [tilespmem:v11+s0+$0x0], $0xffff  }
0x194: {  	v16 =	vadd.f32 v20, v16;
	v20 =	vld.idx.msk [tilespmem:v12+s0+$0x0], $0xffff  }
0x195: {  	v26 =	vld.idx.msk [tilespmem:v13+s0+$0x0], $0xffff  }
0x196: {  	v16 =	vadd.f32 v21, v16;
	v21 =	vld.idx.msk [tilespmem:v14+s0+$0x0], $0xffff  }
0x197: {  	v27 =	vld.idx.msk [tilespmem:v15+s0+$0x0], $0xffff  }
0x198: {  	v16 =	vadd.f32 v22, v16;
	_ =	sdelay $0x1  }
0x199: {  	v16 =	vadd.f32 v17, v16;
	_ =	sdelay $0x1  }
0x19a: {  	v16 =	vadd.f32 v23, v16;
	_ =	sdelay $0x1  }
0x19b: {  	v16 =	vadd.f32 v18, v16;
	_ =	sdelay $0x1  }
0x19c: {  	v16 =	vadd.f32 v24, v16;
	_ =	sdelay $0x1  }
0x19d: {  	v16 =	vadd.f32 v19, v16;
	_ =	sdelay $0x1  }
0x19e: {  	v16 =	vadd.f32 v25, v16;
	_ =	sdelay $0x1  }
0x19f: {  	v16 =	vadd.f32 v20, v16;
	_ =	sdelay $0x1  }
0x1a0: {  	v16 =	vadd.f32 v26, v16;
	_ =	sdelay $0x1  }
0x1a1: {  	v16 =	vadd.f32 v21, v16;
	_ =	sdelay $0x1  }
0x1a2: {  	v16 =	vadd.f32 v27, v16;
	_ =	sdelay $0x1  }
0x1a3: {  	[tilespmem:s21+$0x10B00] =	vst v16  }
0x1a4: {  	v16 =	vld [tilespmem:s13+$0xFFFFFE00]  }
0x1a5: {  	v17 =	vld [tilespmem:s17+$0xFFFFFE10]  }
0x1a6: {  	v18 =	vld [tilespmem:s13+$0xFFFFFE10]  }
0x1a7: {  	v19 =	vld [tilespmem:s17+$0xFFFFFE00]  }
0x1a8: {  	v20 =	vld [tilespmem:s17+$0xFFFFFE20]  }
0x1a9: {  	v21 =	vld [tilespmem:s13+$0xFFFFFE20]  }
0x1aa: {  	v22 =	vld [tilespmem:s17+$0xFFFFFE30]  }
0x1ab: {  	v17 =	vmul.f32 v17, v18;
	v18 =	vld [tilespmem:s13+$0xFFFFFE30]  }
0x1ac: {  	v16 =	vmul.f32 v19, v16;
	_ =	sdelay $0x1  }
0x1ad: {  	v16 =	vadd.f32 v17, v16;
	v17 =	vmul.f32 v20, v21;
	_ =	sdelay $0x1  }
0x1ae: {  	v16 =	vadd.f32 v17, v16;
	v17 =	vmul.f32 v22, v18;
	_ =	sdelay $0x1  }
0x1af: {  	v16 =	vadd.f32 v17, v16;
	_ =	sdelay $0x1  }
0x1b0: {  	[tilespmem:$0x10A00] =	vst v16  }
0x1b1: {  	v16 =	vld [tilespmem:s17+$0xFFFFFE50]  }
0x1b2: {  	v17 =	vld [tilespmem:s13+$0xFFFFFE40]  }
0x1b3: {  	v18 =	vld [tilespmem:s13+$0xFFFFFE50]  }
0x1b4: {  	v19 =	vld [tilespmem:s17+$0xFFFFFE40]  }
0x1b5: {  	v20 =	vld [tilespmem:s17+$0xFFFFFE60]  }
0x1b6: {  	v21 =	vld [tilespmem:s13+$0xFFFFFE60]  }
0x1b7: {  	v22 =	vld [tilespmem:s17+$0xFFFFFE70]  }
0x1b8: {  	v16 =	vmul.f32 v16, v18;
	v18 =	vld [tilespmem:s13+$0xFFFFFE70]  }
0x1b9: {  	v17 =	vmul.f32 v19, v17;
	_ =	sdelay $0x1  }
0x1ba: {  	v16 =	vadd.f32 v16, v17;
	v17 =	vmul.f32 v20, v21;
	_ =	sdelay $0x1  }
0x1bb: {  	v16 =	vadd.f32 v17, v16;
	v17 =	vmul.f32 v22, v18;
	_ =	sdelay $0x1  }
0x1bc: {  	v16 =	vadd.f32 v17, v16;
	_ =	sdelay $0x1  }
0x1bd: {  	[tilespmem:$0x10A10] =	vst v16  }
0x1be: {  	v16 =	vld [tilespmem:s13+$0xFFFFFE80]  }
0x1bf: {  	v17 =	vld [tilespmem:s17+$0xFFFFFE80]  }
0x1c0: {  	v18 =	vld [tilespmem:s17+$0xFFFFFE90]  }
0x1c1: {  	v19 =	vld [tilespmem:s13+$0xFFFFFE90]  }
0x1c2: {  	v20 =	vld [tilespmem:s17+$0xFFFFFEA0]  }
0x1c3: {  	v21 =	vld [tilespmem:s13+$0xFFFFFEA0]  }
0x1c4: {  	v16 =	vmul.f32 v17, v16;
	v17 =	vld [tilespmem:s17+$0xFFFFFEB0]  }
0x1c5: {  	v22 =	vld [tilespmem:s13+$0xFFFFFEB0]  }
0x1c6: {  	v18 =	vmul.f32 v18, v19;
	_ =	sdelay $0x1  }
0x1c7: {  	v16 =	vadd.f32 v18, v16;
	v18 =	vmul.f32 v20, v21;
	_ =	sdelay $0x1  }
0x1c8: {  	v16 =	vadd.f32 v18, v16;
	v17 =	vmul.f32 v17, v22;
	_ =	sdelay $0x1  }
0x1c9: {  	v16 =	vadd.f32 v17, v16;
	_ =	sdelay $0x1  }
0x1ca: {  	[tilespmem:$0x10A20] =	vst v16  }
0x1cb: {  	v16 =	vld [tilespmem:s17+$0xFFFFFEC0]  }
0x1cc: {  	v17 =	vld [tilespmem:s13+$0xFFFFFEC0]  }
0x1cd: {  	v18 =	vld [tilespmem:s13+$0xFFFFFED0]  }
0x1ce: {  	v19 =	vld [tilespmem:s17+$0xFFFFFED0]  }
0x1cf: {  	v20 =	vld [tilespmem:s17+$0xFFFFFEE0]  }
0x1d0: {  	v21 =	vld [tilespmem:s13+$0xFFFFFEE0]  }
0x1d1: {  	v16 =	vmul.f32 v16, v17;
	v17 =	vld [tilespmem:s17+$0xFFFFFEF0]  }
0x1d2: {  	v22 =	vld [tilespmem:s13+$0xFFFFFEF0]  }
0x1d3: {  	v18 =	vmul.f32 v19, v18;
	_ =	sdelay $0x1  }
0x1d4: {  	v16 =	vadd.f32 v18, v16;
	v18 =	vmul.f32 v20, v21;
	_ =	sdelay $0x1  }
0x1d5: {  	v16 =	vadd.f32 v18, v16;
	v17 =	vmul.f32 v17, v22;
	_ =	sdelay $0x1  }
0x1d6: {  	v16 =	vadd.f32 v17, v16;
	_ =	sdelay $0x1  }
0x1d7: {  	[tilespmem:$0x10A30] =	vst v16  }
0x1d8: {  	v16 =	vld [tilespmem:s17+$0xFFFFFF10]  }
0x1d9: {  	v17 =	vld [tilespmem:s13+$0xFFFFFF00]  }
0x1da: {  	v18 =	vld [tilespmem:s17+$0xFFFFFF00]  }
0x1db: {  	v19 =	vld [tilespmem:s13+$0xFFFFFF10]  }
0x1dc: {  	v20 =	vld [tilespmem:s17+$0xFFFFFF20]  }
0x1dd: {  	v21 =	vld [tilespmem:s13+$0xFFFFFF20]  }
0x1de: {  	v22 =	vld [tilespmem:s17+$0xFFFFFF30]  }
0x1df: {  	v17 =	vmul.f32 v18, v17;
	v18 =	vld [tilespmem:s13+$0xFFFFFF30]  }
0x1e0: {  	v16 =	vmul.f32 v16, v19;
	_ =	sdelay $0x1  }
0x1e1: {  	v16 =	vadd.f32 v16, v17;
	v17 =	vmul.f32 v20, v21;
	_ =	sdelay $0x1  }
0x1e2: {  	v16 =	vadd.f32 v17, v16;
	v17 =	vmul.f32 v22, v18;
	_ =	sdelay $0x1  }
0x1e3: {  	v16 =	vadd.f32 v17, v16;
	_ =	sdelay $0x1  }
0x1e4: {  	[tilespmem:$0x10A40] =	vst v16  }
0x1e5: {  	v16 =	vld [tilespmem:s17+$0xFFFFFF50]  }
0x1e6: {  	v17 =	vld [tilespmem:s13+$0xFFFFFF40]  }
0x1e7: {  	v18 =	vld [tilespmem:s17+$0xFFFFFF40]  }
0x1e8: {  	v19 =	vld [tilespmem:s13+$0xFFFFFF50]  }
0x1e9: {  	v20 =	vld [tilespmem:s17+$0xFFFFFF60]  }
0x1ea: {  	v21 =	vld [tilespmem:s13+$0xFFFFFF60]  }
0x1eb: {  	v22 =	vld [tilespmem:s17+$0xFFFFFF70]  }
0x1ec: {  	v17 =	vmul.f32 v18, v17;
	v18 =	vld [tilespmem:s13+$0xFFFFFF70]  }
0x1ed: {  	v16 =	vmul.f32 v16, v19;
	_ =	sdelay $0x1  }
0x1ee: {  	v16 =	vadd.f32 v16, v17;
	v17 =	vmul.f32 v20, v21;
	_ =	sdelay $0x1  }
0x1ef: {  	v16 =	vadd.f32 v17, v16;
	v17 =	vmul.f32 v22, v18;
	_ =	sdelay $0x1  }
0x1f0: {  	v16 =	vadd.f32 v17, v16;
	_ =	sdelay $0x1  }
0x1f1: {  	[tilespmem:$0x10A50] =	vst v16  }
0x1f2: {  	v16 =	vld [tilespmem:s17+$0xFFFFFF80]  }
0x1f3: {  	v17 =	vld [tilespmem:s17+$0xFFFFFF90]  }
0x1f4: {  	v18 =	vld [tilespmem:s13+$0xFFFFFF90]  }
0x1f5: {  	v19 =	vld [tilespmem:s13+$0xFFFFFF80]  }
0x1f6: {  	v20 =	vld [tilespmem:s17+$0xFFFFFFA0]  }
0x1f7: {  	v21 =	vld [tilespmem:s13+$0xFFFFFFA0]  }
0x1f8: {  	v22 =	vld [tilespmem:s17+$0xFFFFFFB0]  }
0x1f9: {  	v17 =	vmul.f32 v17, v18;
	v18 =	vld [tilespmem:s13+$0xFFFFFFB0]  }
0x1fa: {  	v16 =	vmul.f32 v16, v19;
	_ =	sdelay $0x1  }
0x1fb: {  	v16 =	vadd.f32 v17, v16;
	v17 =	vmul.f32 v20, v21;
	_ =	sdelay $0x1  }
0x1fc: {  	v16 =	vadd.f32 v17, v16;
	v17 =	vmul.f32 v22, v18;
	_ =	sdelay $0x1  }
0x1fd: {  	v16 =	vadd.f32 v17, v16;
	_ =	sdelay $0x1  }
0x1fe: {  	[tilespmem:$0x10A60] =	vst v16  }
0x1ff: {  	v16 =	vld [tilespmem:s17+$0xFFFFFFD0]  }
0x200: {  	v17 =	vld [tilespmem:s17+$0xFFFFFFC0]  }
0x201: {  	v18 =	vld [tilespmem:s13+$0xFFFFFFC0]  }
0x202: {  	v19 =	vld [tilespmem:s13+$0xFFFFFFD0]  }
0x203: {  	v20 =	vld [tilespmem:s17+$0xFFFFFFE0]  }
0x204: {  	v21 =	vld [tilespmem:s13+$0xFFFFFFE0]  }
0x205: {  	v22 =	vld [tilespmem:s17+$0xFFFFFFF0]  }
0x206: {  	v17 =	vmul.f32 v17, v18;
	v18 =	vld [tilespmem:s13+$0xFFFFFFF0]  }
0x207: {  	v16 =	vmul.f32 v16, v19;
	_ =	sdelay $0x1  }
0x208: {  	v16 =	vadd.f32 v16, v17;
	v17 =	vmul.f32 v20, v21;
	_ =	sdelay $0x1  }
0x209: {  	v16 =	vadd.f32 v17, v16;
	v17 =	vmul.f32 v22, v18;
	_ =	sdelay $0x1  }
0x20a: {  	v16 =	vadd.f32 v17, v16;
	_ =	sdelay $0x1  }
0x20b: {  	[tilespmem:$0x10A70] =	vst v16  }
0x20c: {  	v16 =	vld [tilespmem:s17+$0x0]  }
0x20d: {  	v17 =	vld [tilespmem:s17+$0x10]  }
0x20e: {  	v18 =	vld [tilespmem:s13+$0x0]  }
0x20f: {  	v19 =	vld [tilespmem:s13+$0x10]  }
0x210: {  	v20 =	vld [tilespmem:s17+$0x20]  }
0x211: {  	v21 =	vld [tilespmem:s13+$0x20]  }
0x212: {  	v22 =	vld [tilespmem:s17+$0x30]  }
0x213: {  	v16 =	vmul.f32 v16, v18;
	v18 =	vld [tilespmem:s13+$0x30]  }
0x214: {  	v17 =	vmul.f32 v17, v19;
	_ =	sdelay $0x1  }
0x215: {  	v16 =	vadd.f32 v17, v16;
	v17 =	vmul.f32 v20, v21;
	_ =	sdelay $0x1  }
0x216: {  	v16 =	vadd.f32 v17, v16;
	v17 =	vmul.f32 v22, v18;
	_ =	sdelay $0x1  }
0x217: {  	v16 =	vadd.f32 v17, v16;
	_ =	sdelay $0x1  }
0x218: {  	[tilespmem:$0x10A80] =	vst v16  }
0x219: {  	v16 =	vld [tilespmem:s17+$0x40]  }
0x21a: {  	v17 =	vld [tilespmem:s17+$0x50]  }
0x21b: {  	v18 =	vld [tilespmem:s13+$0x40]  }
0x21c: {  	v19 =	vld [tilespmem:s13+$0x50]  }
0x21d: {  	v20 =	vld [tilespmem:s13+$0x60]  }
0x21e: {  	v21 =	vld [tilespmem:s17+$0x60]  }
0x21f: {  	v22 =	vld [tilespmem:s13+$0x70]  }
0x220: {  	v16 =	vmul.f32 v16, v18;
	v18 =	vld [tilespmem:s17+$0x70]  }
0x221: {  	v17 =	vmul.f32 v17, v19;
	_ =	sdelay $0x1  }
0x222: {  	v16 =	vadd.f32 v17, v16;
	v17 =	vmul.f32 v21, v20;
	_ =	sdelay $0x1  }
0x223: {  	v16 =	vadd.f32 v17, v16;
	v17 =	vmul.f32 v18, v22;
	_ =	sdelay $0x1  }
0x224: {  	v16 =	vadd.f32 v17, v16;
	_ =	sdelay $0x1  }
0x225: {  	[tilespmem:$0x10A90] =	vst v16  }
0x226: {  	v16 =	vld [tilespmem:s17+$0x80]  }
0x227: {  	v17 =	vld [tilespmem:s17+$0x90]  }
0x228: {  	v18 =	vld [tilespmem:s13+$0x80]  }
0x229: {  	v19 =	vld [tilespmem:s13+$0x90]  }
0x22a: {  	v20 =	vld [tilespmem:s13+$0xA0]  }
0x22b: {  	v21 =	vld [tilespmem:s17+$0xA0]  }
0x22c: {  	v22 =	vld [tilespmem:s13+$0xB0]  }
0x22d: {  	v16 =	vmul.f32 v16, v18;
	v18 =	vld [tilespmem:s17+$0xB0]  }
0x22e: {  	v17 =	vmul.f32 v17, v19;
	_ =	sdelay $0x1  }
0x22f: {  	v16 =	vadd.f32 v17, v16;
	v17 =	vmul.f32 v21, v20;
	_ =	sdelay $0x1  }
0x230: {  	v16 =	vadd.f32 v17, v16;
	v17 =	vmul.f32 v18, v22;
	_ =	sdelay $0x1  }
0x231: {  	v16 =	vadd.f32 v17, v16;
	_ =	sdelay $0x1  }
0x232: {  	[tilespmem:$0x10AA0] =	vst v16  }
0x233: {  	v16 =	vld [tilespmem:s17+$0xC0]  }
0x234: {  	v17 =	vld [tilespmem:s17+$0xD0]  }
0x235: {  	v18 =	vld [tilespmem:s13+$0xC0]  }
0x236: {  	v19 =	vld [tilespmem:s13+$0xD0]  }
0x237: {  	v20 =	vld [tilespmem:s13+$0xE0]  }
0x238: {  	v21 =	vld [tilespmem:s17+$0xE0]  }
0x239: {  	v22 =	vld [tilespmem:s13+$0xF0]  }
0x23a: {  	v16 =	vmul.f32 v16, v18;
	v18 =	vld [tilespmem:s17+$0xF0]  }
0x23b: {  	v17 =	vmul.f32 v17, v19;
	_ =	sdelay $0x1  }
0x23c: {  	v16 =	vadd.f32 v17, v16;
	v17 =	vmul.f32 v21, v20;
	_ =	sdelay $0x1  }
0x23d: {  	v16 =	vadd.f32 v17, v16;
	v17 =	vmul.f32 v18, v22;
	_ =	sdelay $0x1  }
0x23e: {  	v16 =	vadd.f32 v17, v16;
	_ =	sdelay $0x1  }
0x23f: {  	[tilespmem:$0x10AB0] =	vst v16  }
0x240: {  	v16 =	vld [tilespmem:s17+$0x100]  }
0x241: {  	v17 =	vld [tilespmem:s17+$0x110]  }
0x242: {  	v18 =	vld [tilespmem:s13+$0x100]  }
0x243: {  	v19 =	vld [tilespmem:s13+$0x110]  }
0x244: {  	v20 =	vld [tilespmem:s13+$0x120]  }
0x245: {  	v21 =	vld [tilespmem:s17+$0x120]  }
0x246: {  	v22 =	vld [tilespmem:s13+$0x130]  }
0x247: {  	v16 =	vmul.f32 v16, v18;
	v18 =	vld [tilespmem:s17+$0x130]  }
0x248: {  	v17 =	vmul.f32 v17, v19;
	_ =	sdelay $0x1  }
0x249: {  	v16 =	vadd.f32 v17, v16;
	v17 =	vmul.f32 v21, v20;
	_ =	sdelay $0x1  }
0x24a: {  	v16 =	vadd.f32 v17, v16;
	v17 =	vmul.f32 v18, v22;
	_ =	sdelay $0x1  }
0x24b: {  	v16 =	vadd.f32 v17, v16;
	_ =	sdelay $0x1  }
0x24c: {  	[tilespmem:$0x10AC0] =	vst v16  }
0x24d: {  	v16 =	vld [tilespmem:s17+$0x140]  }
0x24e: {  	v17 =	vld [tilespmem:s17+$0x150]  }
0x24f: {  	v18 =	vld [tilespmem:s13+$0x140]  }
0x250: {  	v19 =	vld [tilespmem:s13+$0x150]  }
0x251: {  	v20 =	vld [tilespmem:s13+$0x160]  }
0x252: {  	v21 =	vld [tilespmem:s17+$0x160]  }
0x253: {  	v22 =	vld [tilespmem:s13+$0x170]  }
0x254: {  	v16 =	vmul.f32 v16, v18;
	v18 =	vld [tilespmem:s17+$0x170]  }
0x255: {  	v17 =	vmul.f32 v17, v19;
	_ =	sdelay $0x1  }
0x256: {  	v16 =	vadd.f32 v17, v16;
	v17 =	vmul.f32 v21, v20;
	_ =	sdelay $0x1  }
0x257: {  	v16 =	vadd.f32 v17, v16;
	v17 =	vmul.f32 v18, v22;
	_ =	sdelay $0x1  }
0x258: {  	v16 =	vadd.f32 v17, v16;
	_ =	sdelay $0x1  }
0x259: {  	[tilespmem:$0x10AD0] =	vst v16  }
0x25a: {  	v16 =	vld [tilespmem:s17+$0x180]  }
0x25b: {  	v17 =	vld [tilespmem:s17+$0x190]  }
0x25c: {  	v18 =	vld [tilespmem:s13+$0x190]  }
0x25d: {  	v19 =	vld [tilespmem:s13+$0x180]  }
0x25e: {  	v20 =	vld [tilespmem:s13+$0x1A0]  }
0x25f: {  	v21 =	vld [tilespmem:s17+$0x1A0]  }
0x260: {  	v22 =	vld [tilespmem:s13+$0x1B0]  }
0x261: {  	v17 =	vmul.f32 v17, v18;
	v18 =	vld [tilespmem:s17+$0x1B0]  }
0x262: {  	v16 =	vmul.f32 v16, v19;
	_ =	sdelay $0x1  }
0x263: {  	v16 =	vadd.f32 v17, v16;
	v17 =	vmul.f32 v21, v20;
	_ =	sdelay $0x1  }
0x264: {  	v16 =	vadd.f32 v17, v16;
	v17 =	vmul.f32 v18, v22;
	_ =	sdelay $0x1  }
0x265: {  	v16 =	vadd.f32 v17, v16;
	_ =	sdelay $0x1  }
0x266: {  	[tilespmem:$0x10AE0] =	vst v16  }
0x267: {  	v19 =	vld [tilespmem:s17+$0x1E0]  }
0x268: {  	v21 =	vld [tilespmem:s13+$0x1C0]  }
0x269: {  	v17 =	vld [tilespmem:s17+$0x1D0]  }
0x26a: {  	v22 =	vld [tilespmem:s13+$0x1E0]  }
0x26b: {  	v23 =	vld [tilespmem:s17+$0x1C0]  }
.Ltmp0:
0x26c: {  	v20 =	vld [tilespmem:s13+$0x1D0];
	(pc) =	sbr.rel @p0 .LBB2_2-.Ltmp0, $3  }
0x26d: {  	v16 =	vld [tilespmem:s17+$0x1F0]  }
0x26e: {  	v18 =	vld [tilespmem:s13+$0x1F0];
	_ =	sdelay $0x1  }
0x26f: {  	v19 =	vmul.f32 v19, v22;
	v21 =	vmul.f32 v23, v21  }
0x270: {  	v17 =	vmul.f32 v17, v20;
	_ =	sdelay $0x1  }
0x271: {  	v17 =	vadd.f32 v17, v21;
	_ =	sdelay $0x1  }
0x272: {  	v16 =	vmul.f32 v16, v18;
	v17 =	vadd.f32 v19, v17;
	_ =	sdelay $0x1  }
0x273: {  	v16 =	vadd.f32 v16, v17;
	_ =	sdelay $0x1  }
0x274: {  	s13 =	sshra.s32 s18, $0x2;
	[tilespmem:$0x10AF0] =	vst v16  }
0x275: {  	v16 =	vld [tilespmem:s13+$0x10000]  }
0x276: {  	v17 =	vld.idx.msk [tilespmem:v0+s0+$0x0], $0xffff;
	_ =	sdelay $0x1  }
0x277: {  	v54 =	vld.idx.msk [tilespmem:v1+s0+$0x0], $0xffff;
	_ =	sdelay $0x1  }
0x278: {  	v55 =	vld.idx.msk [tilespmem:v2+s0+$0x0], $0xffff  }
0x279: {  	v16 =	vadd.f32 v17, v16  }
0x27a: {  	v17 =	vld.idx.msk [tilespmem:v3+s0+$0x0], $0xffff  }
0x27b: {  	v16 =	vadd.f32 v54, v16  }
0x27c: {  	v56 =	vld.idx.msk [tilespmem:v4+s0+$0x0], $0xffff  }
0x27d: {  	v16 =	vadd.f32 v55, v16  }
0x27e: {  	v57 =	vld.idx.msk [tilespmem:v5+s0+$0x0], $0xffff  }
0x27f: {  	v16 =	vadd.f32 v17, v16  }
0x280: {  	v17 =	vld.idx.msk [tilespmem:v6+s0+$0x0], $0xffff  }
0x281: {  	v16 =	vadd.f32 v56, v16  }
0x282: {  	v58 =	vld.idx.msk [tilespmem:v7+s0+$0x0], $0xffff  }
0x283: {  	v16 =	vadd.f32 v57, v16  }
0x284: {  	v59 =	vld.idx.msk [tilespmem:v8+s0+$0x0], $0xffff  }
0x285: {  	v16 =	vadd.f32 v17, v16  }
0x286: {  	v17 =	vld.idx.msk [tilespmem:v9+s0+$0x0], $0xffff  }
0x287: {  	v16 =	vadd.f32 v58, v16  }
0x288: {  	v60 =	vld.idx.msk [tilespmem:v10+s0+$0x0], $0xffff  }
0x289: {  	v16 =	vadd.f32 v59, v16  }
0x28a: {  	v61 =	vld.idx.msk [tilespmem:v11+s0+$0x0], $0xffff  }
0x28b: {  	v16 =	vadd.f32 v17, v16  }
0x28c: {  	v17 =	vld.idx.msk [tilespmem:v12+s0+$0x0], $0xffff  }
0x28d: {  	v16 =	vadd.f32 v60, v16  }
0x28e: {  	v62 =	vld.idx.msk [tilespmem:v13+s0+$0x0], $0xffff  }
0x28f: {  	v16 =	vadd.f32 v61, v16  }
0x290: {  	v63 =	vld.idx.msk [tilespmem:v14+s0+$0x0], $0xffff  }
0x291: {  	v16 =	vadd.f32 v17, v16  }
0x292: {  	v17 =	vld.idx.msk [tilespmem:v15+s0+$0x0], $0xffff  }
0x293: {  	v16 =	vadd.f32 v62, v16;
	_ =	sdelay $0x1  }
0x294: {  	v16 =	vadd.f32 v63, v16;
	_ =	sdelay $0x1  }
0x295: {  	s12 =	sadd.s32 $0x1, s12;
	v16 =	vadd.f32 v17, v16  }
0x296: {  	p0 =	sne.s32 s12, s10  }
.Ltmp1:
0x297: {  	[tilespmem:s13+$0x10B00] =	vst v16;
	(pc) =	sbr.rel @p0 .LBB2_1-.Ltmp1, $4  }
0x298: {  	[hbm4b:s9+s2] =	stream.linear.scatter [tilespmem:s1], [sflag:$0x5], $0x200, $0x38;
	[tilespmem:$0x10D00] =	vst v63  }
0x299: {  	_ =	swait.ge [sflag:s11], $0x200  }
0x29a: {  	[sflag:s11] =	ssyncset.done $0x0  }
0x29b: {  	[sflag:s11] =	ssyncadd.s32 $0xFFFFFE00  }
0x29c: {  	_ =	sfence.sel $0x180000  }
0x29d: {  	[bflag:$0x0] =	sbarrier.arrive $0xFFFF  }
0x29e: {  	_ =	strace $0x90000047  }
0x29f: {  	s0 =	stileid.u32;
	[bflag:$0x2] =	sbarrier.arrive $0xFFFF  }
0x2a0: {  	p0 =	sne.s32 s0, $0x0;
	s0 =	rddreg [dreg:$0x5]  }
0x2a1: {  	s0 =	sadd.s32 @!p0 $0x100000, s0  }
0x2a2: {  	[sflag:s0] =	ssyncadd.tile.s32 @!p0 $0x1;
	_ =	shalt  }
.Lfunc_end2:
_tile_overlayer_lowered:
.L_overlay_start_2:
0x2a3: {  	(tag) =	ssettag $0x2  }
0x2a4: {  	s0 =	rddreg [dreg:$0x0];
	s2 =	stileid.u32  }
0x2a5: {  	s1 =	rddreg [dreg:$0x1];
	p0 =	sne.s32 s2, $0x0  }
0x2a6: {  	s3 =	rddreg [dreg:$0x2];
	[bflag:$0x3] =	sbarrier.arrive $0xFFFF;
	s2 =	simm.s32 @!p0 $0x1C05  }
0x2a7: {  	[timem:s3], [sflag:s2] =	dma.local @!p0 [hbm:s0], s1  }
0x2a8: {  	s0 =	simm.s32 @!p0 $0x5  }
0x2a9: {  	_ =	swait.ge @!p0 [sflag:s0], s1  }
0x2aa: {  	s1 =	ssub.s32 @!p0 $0x0, s1;
	[sflag:s0] =	ssyncset.done @!p0 $0x0  }
0x2ab: {  	[sflag:s0] =	ssyncadd.s32 @!p0 s1  }
0x2ac: {  	[bflag:$0x3] =	sbarrier.arrive $0xFFFF  }
0x2ad: {  	_ =	shalt  }

</sc_bundles>
